<compile_context>
chip_gen: v7x
topology: tpu7x:2x2x1
jax: 0.10.2.dev20260603
libtpu: 0.0.44.dev20260713+nightly
codegen_flags: <defaults>
</compile_context>

<pallas_src>
import jax
import jax.numpy as jnp
from jax.experimental import pallas as pl

N_GLOBAL = 100000
N_MP = 50000
E = 800000
T = 8192
IN_F = 128
HID = 32
HEADS = 2
DM = HEADS * HID
SEM = 128
OUT = 64
NEG_SLOPE = 0.2

RB = 1000
TT = 512
TE = 3200
NT = T // TT
NE = E // TE


def _fc_body(f0, f1, w0, b0, w1, b1, o0, o1):
    o0[...] = f0[...] @ w0[...] + b0[...]
    o1[...] = f1[...] @ w1[...] + b1[...]


def _fc(feat0, feat1, fc0_W, fc0_b, fc1_W, fc1_b):
    grid = (N_MP // RB,)
    return pl.pallas_call(
        _fc_body,
        grid=grid,
        in_specs=[
            pl.BlockSpec((RB, IN_F), lambda i: (i, 0)),
            pl.BlockSpec((RB, IN_F), lambda i: (i, 0)),
            pl.BlockSpec((IN_F, HID), lambda i: (0, 0)),
            pl.BlockSpec((1, HID), lambda i: (0, 0)),
            pl.BlockSpec((IN_F, HID), lambda i: (0, 0)),
            pl.BlockSpec((1, HID), lambda i: (0, 0)),
        ],
        out_specs=[
            pl.BlockSpec((RB, HID), lambda i: (i, 0)),
            pl.BlockSpec((RB, HID), lambda i: (i, 0)),
        ],
        out_shape=[
            jax.ShapeDtypeStruct((N_MP, HID), jnp.float32),
            jax.ShapeDtypeStruct((N_MP, HID), jnp.float32),
        ],
    )(feat0, feat1, fc0_W, fc0_b.reshape(1, HID), fc1_W, fc1_b.reshape(1, HID))


def _hel_body(feat, w, alm, arm, h, el, er):
    hv = feat[...] @ w[...]
    h[...] = hv
    el[...] = hv @ alm[...]
    er[...] = hv @ arm[...]


def _hel(feat, W, alm, arm):
    grid = (N_MP // RB,)
    return pl.pallas_call(
        _hel_body,
        grid=grid,
        in_specs=[
            pl.BlockSpec((RB, HID), lambda i: (i, 0)),
            pl.BlockSpec((HID, DM), lambda i: (0, 0)),
            pl.BlockSpec((DM, HEADS), lambda i: (0, 0)),
            pl.BlockSpec((DM, HEADS), lambda i: (0, 0)),
        ],
        out_specs=[
            pl.BlockSpec((RB, DM), lambda i: (i, 0)),
            pl.BlockSpec((RB, HEADS), lambda i: (i, 0)),
            pl.BlockSpec((RB, HEADS), lambda i: (i, 0)),
        ],
        out_shape=[
            jax.ShapeDtypeStruct((N_MP, DM), jnp.float32),
            jax.ShapeDtypeStruct((N_MP, HEADS), jnp.float32),
            jax.ShapeDtypeStruct((N_MP, HEADS), jnp.float32),
        ],
    )(feat, W, alm, arm)


def _edge_body(tgt, dst, els, erd, hs, out, den):
    j = pl.program_id(1)

    @pl.when(j == 0)
    def _():
        out[...] = jnp.zeros_like(out)
        den[...] = jnp.zeros_like(den)

    s = els[0] + erd[0]
    e = jnp.where(s >= 0, s, NEG_SLOPE * s)
    ee = jnp.exp(e)
    lane = jax.lax.broadcasted_iota(jnp.int32, (TE, DM), 1)
    m0 = jnp.broadcast_to(ee[:, 0:1], (TE, DM))
    m1 = jnp.broadcast_to(ee[:, 1:2], (TE, DM))
    v = hs[0] * jnp.where(lane < HID, m0, m1)

    mask = (tgt[0] == dst[0]).astype(jnp.float32)
    out[...] += jax.lax.dot(mask, v, preferred_element_type=jnp.float32)
    den[...] += jax.lax.dot(mask, ee, preferred_element_type=jnp.float32)


def _edge(tgt, dst, el_s, er_d, h_s):
    grid = (NT, NE)
    return pl.pallas_call(
        _edge_body,
        grid=grid,
        in_specs=[
            pl.BlockSpec((1, TT, 1), lambda i, j: (i, 0, 0)),
            pl.BlockSpec((1, 1, TE), lambda i, j: (j, 0, 0)),
            pl.BlockSpec((1, TE, HEADS), lambda i, j: (j, 0, 0)),
            pl.BlockSpec((1, TE, HEADS), lambda i, j: (j, 0, 0)),
            pl.BlockSpec((1, TE, DM), lambda i, j: (j, 0, 0)),
        ],
        out_specs=[
            pl.BlockSpec((TT, DM), lambda i, j: (i, 0)),
            pl.BlockSpec((TT, HEADS), lambda i, j: (i, 0)),
        ],
        out_shape=[
            jax.ShapeDtypeStruct((T, DM), jnp.float32),
            jax.ShapeDtypeStruct((T, HEADS), jnp.float32),
        ],
    )(
        tgt.reshape(NT, TT, 1),
        dst.reshape(NE, 1, TE),
        el_s.reshape(NE, TE, HEADS),
        er_d.reshape(NE, TE, HEADS),
        h_s.reshape(NE, TE, DM),
    )


def _tail_body(o0, d0, o1, d1, semW, semb, semq, oW, ob, out):
    lane = jax.lax.broadcasted_iota(jnp.int32, (T, DM), 1)

    def z_of(o, d):
        dd = jnp.where(lane < HID,
                       jnp.broadcast_to(d[...][:, 0:1], (T, DM)),
                       jnp.broadcast_to(d[...][:, 1:2], (T, DM)))
        x = o[...] / (dd + 1e-9)
        return jnp.where(x > 0, x, jnp.exp(x) - 1.0)

    z0 = z_of(o0, d0)
    z1 = z_of(o1, d1)
    s0 = jnp.tanh(z0 @ semW[...] + semb[...]) @ semq[...]
    s1 = jnp.tanh(z1 @ semW[...] + semb[...]) @ semq[...]
    w0 = jnp.sum(s0) / T
    w1 = jnp.sum(s1) / T
    m = jnp.maximum(w0, w1)
    b0 = jnp.exp(w0 - m)
    b1 = jnp.exp(w1 - m)
    tot = b0 + b1
    sem = (b0 / tot) * z0 + (b1 / tot) * z1
    out[...] = sem @ oW[...] + ob[...]


def _tail(o0, d0, o1, d1, semW, semb, semq, oW, ob):
    return pl.pallas_call(
        _tail_body,
        out_shape=jax.ShapeDtypeStruct((T, OUT), jnp.float32),
    )(o0, d0, o1, d1, semW, semb.reshape(1, SEM), semq.reshape(SEM, 1),
      oW, ob.reshape(1, OUT))


def _amat(a):
    m = jnp.zeros((DM, HEADS), jnp.float32)
    m = m.at[0:HID, 0].set(a[0])
    m = m.at[HID:DM, 1].set(a[1])
    return m


def kernel(feat0, feat1, type_mask, ei10, ei11, ei20, ei21, nidx10, nidx11,
           nidx20, nidx21, tgt10, tgt11, tgt20, tgt21, fc0_W, fc0_b, fc1_W,
           fc1_b, gat1_W, gat1_al, gat1_ar, sem1_W, sem1_b, sem1_q, out1_W,
           out1_b, gat2_W, gat2_al, gat2_ar, sem2_W, sem2_b, sem2_q, out2_W,
           out2_b):
    o0, o1 = _fc(feat0, feat1, fc0_W, fc0_b, fc1_W, fc1_b)
    tf = jnp.concatenate([o0, o1], axis=0)

    def gat(nidx, ei, tgt, W, al, ar):
        feat = tf[nidx]
        h, el, er = _hel(feat, W, _amat(al), _amat(ar))
        src = ei[0]
        dst = ei[1]
        return _edge(tgt, dst, el[src], er[dst], h[src])

    def han(nidxs, eis, tgts, gW, gal, gar, semW, semb, semq, oW, ob):
        o0_, d0_ = gat(nidxs[0], eis[0], tgts[0], gW[0], gal[0], gar[0])
        o1_, d1_ = gat(nidxs[1], eis[1], tgts[1], gW[1], gal[1], gar[1])
        return _tail(o0_, d0_, o1_, d1_, semW, semb, semq, oW, ob)

    gene_h = han([nidx10, nidx11], [ei10, ei11], [tgt10, tgt11],
                 gat1_W, gat1_al, gat1_ar, sem1_W, sem1_b, sem1_q,
                 out1_W, out1_b)
    dis_h = han([nidx20, nidx21], [ei20, ei21], [tgt20, tgt21],
                gat2_W, gat2_al, gat2_ar, sem2_W, sem2_b, sem2_q,
                out2_W, out2_b)
    return (gene_h, dis_h)

# --- scband reference (transcript-rebuilt; emitter-appended) ---
"""Pipeline reference for scband-han-lp-45337674776786 (READ-ONLY COPY).

The authoritative reference and input builder live on the scoring server;
editing this copy changes nothing except your own understanding.
"""

import jax, jax.numpy as jnp
import numpy as np

N_GLOBAL = 100000
N_MP = 50000
E = 800000
T = 8192
IN_F = 128
HID = 32
HEADS = 2
DM = HEADS * HID
SEM = 128
OUT = 64
NEG_SLOPE = 0.2


def _gat(feat, W, al, ar, src, dst):
    n = feat.shape[0]
    h = (feat @ W).reshape(n, HEADS, HID)
    el = (h * al[None, :, :]).sum(-1)
    er = (h * ar[None, :, :]).sum(-1)
    e = jax.nn.leaky_relu(el[src] + er[dst], NEG_SLOPE)
    emax = jax.ops.segment_max(e, dst, num_segments=n)
    emax = jnp.where(jnp.isfinite(emax), emax, 0.0)
    ee = jnp.exp(e - emax[dst])
    denom = jax.ops.segment_sum(ee, dst, num_segments=n)
    alpha = ee / (denom[dst] + 1e-9)
    out = jax.ops.segment_sum(h[src] * alpha[:, :, None], dst, num_segments=n)
    return jax.nn.elu(out.reshape(n, DM))


def _han(feats, edges, tgts, gW, gal, gar, semW, semb, semq, oW, ob):
    outs = []
    for m in range(2):
        h = _gat(feats[m], gW[m], gal[m], gar[m], edges[m][0], edges[m][1])
        outs.append(h[tgts[m]])
    z = jnp.stack(outs, axis=1)
    w = (jnp.tanh(z @ semW + semb) @ semq).mean(axis=0)
    beta = jax.nn.softmax(w)
    sem_out = jnp.einsum('tmd,m->td', z, beta)
    return sem_out @ oW + ob


def setup_inputs(seed: int = 0):
    key = jax.random.key(seed)
    ks = jax.random.split(key, 40)
    s = 0.05
    d = {}
    d['feat0'] = jax.random.normal(ks[0], (N_MP, IN_F), jnp.float32)
    d['feat1'] = jax.random.normal(ks[1], (N_MP, IN_F), jnp.float32)
    d['type_mask'] = jnp.concatenate([jnp.zeros((N_MP,), jnp.int32), jnp.ones((N_MP,), jnp.int32)])
    d['ei10'] = jax.random.randint(ks[2], (2, E), 0, N_MP)
    d['ei11'] = jax.random.randint(ks[3], (2, E), 0, N_MP)
    d['ei20'] = jax.random.randint(ks[4], (2, E), 0, N_MP)
    d['ei21'] = jax.random.randint(ks[5], (2, E), 0, N_MP)
    d['nidx10'] = jax.random.randint(ks[6], (N_MP,), 0, N_GLOBAL)
    d['nidx11'] = jax.random.randint(ks[7], (N_MP,), 0, N_GLOBAL)
    d['nidx20'] = jax.random.randint(ks[8], (N_MP,), 0, N_GLOBAL)
    d['nidx21'] = jax.random.randint(ks[9], (N_MP,), 0, N_GLOBAL)
    d['tgt10'] = jax.random.randint(ks[10], (T,), 0, N_MP)
    d['tgt11'] = jax.random.randint(ks[11], (T,), 0, N_MP)
    d['tgt20'] = jax.random.randint(ks[12], (T,), 0, N_MP)
    d['tgt21'] = jax.random.randint(ks[13], (T,), 0, N_MP)
    d['fc0_W'] = jax.random.normal(ks[14], (IN_F, HID), jnp.float32) * s
    d['fc0_b'] = jax.random.normal(ks[15], (HID,), jnp.float32) * s
    d['fc1_W'] = jax.random.normal(ks[16], (IN_F, HID), jnp.float32) * s
    d['fc1_b'] = jax.random.normal(ks[17], (HID,), jnp.float32) * s
    d['gat1_W'] = jax.random.normal(ks[18], (2, HID, DM), jnp.float32) * s
    d['gat1_al'] = jax.random.normal(ks[19], (2, HEADS, HID), jnp.float32) * s
    d['gat1_ar'] = jax.random.normal(ks[20], (2, HEADS, HID), jnp.float32) * s
    d['sem1_W'] = jax.random.normal(ks[21], (DM, SEM), jnp.float32) * s
    d['sem1_b'] = jax.random.normal(ks[22], (SEM,), jnp.float32) * s
    d['sem1_q'] = jax.random.normal(ks[23], (SEM,), jnp.float32) * s
    d['out1_W'] = jax.random.normal(ks[24], (DM, OUT), jnp.float32) * s
    d['out1_b'] = jax.random.normal(ks[25], (OUT,), jnp.float32) * s
    d['gat2_W'] = jax.random.normal(ks[26], (2, HID, DM), jnp.float32) * s
    d['gat2_al'] = jax.random.normal(ks[27], (2, HEADS, HID), jnp.float32) * s
    d['gat2_ar'] = jax.random.normal(ks[28], (2, HEADS, HID), jnp.float32) * s
    d['sem2_W'] = jax.random.normal(ks[29], (DM, SEM), jnp.float32) * s
    d['sem2_b'] = jax.random.normal(ks[30], (SEM,), jnp.float32) * s
    d['sem2_q'] = jax.random.normal(ks[31], (SEM,), jnp.float32) * s
    d['out2_W'] = jax.random.normal(ks[32], (DM, OUT), jnp.float32) * s
    d['out2_b'] = jax.random.normal(ks[33], (OUT,), jnp.float32) * s
    return d


def reference(feat0, feat1, type_mask, ei10, ei11, ei20, ei21, nidx10, nidx11, nidx20, nidx21, tgt10, tgt11, tgt20, tgt21, fc0_W, fc0_b, fc1_W, fc1_b, gat1_W, gat1_al, gat1_ar, sem1_W, sem1_b, sem1_q, out1_W, out1_b, gat2_W, gat2_al, gat2_ar, sem2_W, sem2_b, sem2_q, out2_W, out2_b):
    idx0 = jnp.nonzero(type_mask == 0, size=N_MP)[0]
    idx1 = jnp.nonzero(type_mask == 1, size=N_MP)[0]
    tf = jnp.zeros((N_GLOBAL, HID), jnp.float32)
    tf = tf.at[idx0].set(feat0 @ fc0_W + fc0_b)
    tf = tf.at[idx1].set(feat1 @ fc1_W + fc1_b)
    feats1 = [tf[nidx10], tf[nidx11]]
    feats2 = [tf[nidx20], tf[nidx21]]
    gene_h = _han(feats1, [ei10, ei11], [tgt10, tgt11], gat1_W, gat1_al, gat1_ar, sem1_W, sem1_b, sem1_q, out1_W, out1_b)
    dis_h = _han(feats2, [ei20, ei21], [tgt20, tgt21], gat2_W, gat2_al, gat2_ar, sem2_W, sem2_b, sem2_q, out2_W, out2_b)
    return (gene_h, dis_h)

if __name__ == "__main__":
    import jax
    _d = setup_inputs()
    print(jax.jit(kernel)(*tuple(_d.values())))

</pallas_src>

<mosaic_0001>
module attributes {stable_mosaic.version = 14 : i64} {
  func.func @_fc_body(%arg0: i32, %arg1: memref<1000x128xf32, #tpu.memory_space<vmem>>, %arg2: memref<1000x128xf32, #tpu.memory_space<vmem>>, %arg3: memref<128x32xf32, #tpu.memory_space<vmem>>, %arg4: memref<1x32xf32, #tpu.memory_space<vmem>>, %arg5: memref<128x32xf32, #tpu.memory_space<vmem>>, %arg6: memref<1x32xf32, #tpu.memory_space<vmem>>, %arg7: memref<1000x32xf32, #tpu.memory_space<vmem>>, %arg8: memref<1000x32xf32, #tpu.memory_space<vmem>>) attributes {dimension_semantics = [#tpu.dimension_semantics<arbitrary>], iteration_bounds = array<i64: 50>, scalar_prefetch = 0 : i64, scratch_operands = 0 : i64, tpu.core_type = #tpu.core_type<tc>, window_params = [{transform_indices = @transform_0, window_bounds = array<i64: 1000, 128>}, {transform_indices = @transform_1, window_bounds = array<i64: 1000, 128>}, {pipeline_mode = #tpu.pipeline_mode<synchronous>, transform_indices = @transform_2, window_bounds = array<i64: 128, 32>}, {pipeline_mode = #tpu.pipeline_mode<synchronous>, transform_indices = @transform_3, window_bounds = array<i64: 1, 32>}, {pipeline_mode = #tpu.pipeline_mode<synchronous>, transform_indices = @transform_4, window_bounds = array<i64: 128, 32>}, {pipeline_mode = #tpu.pipeline_mode<synchronous>, transform_indices = @transform_5, window_bounds = array<i64: 1, 32>}, {transform_indices = @transform_6, window_bounds = array<i64: 1000, 32>}, {transform_indices = @transform_7, window_bounds = array<i64: 1000, 32>}]} {
    %get3A = arith.constant 0 : index
    %get3A_0 = arith.constant 0 : index
    %get3A_1 = vector.load %arg1[%get3A, %get3A_0] : memref<1000x128xf32, #tpu.memory_space<vmem>>, vector<1000x128xf32>
    %get3A_2 = arith.constant 0 : index
    %get3A_3 = arith.constant 0 : index
    %get3A_4 = vector.load %arg3[%get3A_2, %get3A_3] : memref<128x32xf32, #tpu.memory_space<vmem>>, vector<128x32xf32>
    %dot_general3A = arith.constant dense<0.000000e+00> : vector<1000x32xf32>
    %dot_general3A_5 = tpu.matmul %get3A_1, %get3A_4, %dot_general3A {dimension_numbers = #tpu.dot_dimension_numbers<[1], [0], [0], [1], [0, 0, 1, 1], [], []>, transpose_lhs_hint = false} : vector<1000x128xf32>, vector<128x32xf32>, vector<1000x32xf32> -> vector<1000x32xf32>
    %get3A_6 = arith.constant 0 : index
    %get3A_7 = arith.constant 0 : index
    %get3A_8 = vector.load %arg4[%get3A_6, %get3A_7] : memref<1x32xf32, #tpu.memory_space<vmem>>, vector<1x32xf32>
    %add3A = vector.broadcast %get3A_8 : vector<1x32xf32> to vector<1000x32xf32>
    %add3A_9 = arith.addf %dot_general3A_5, %add3A : vector<1000x32xf32>
    %swap3A = arith.constant 0 : index
    %swap3A_10 = arith.constant 0 : index
    %swap3A_11 = vector.load %arg7[%swap3A, %swap3A_10] : memref<1000x32xf32, #tpu.memory_space<vmem>>, vector<1000x32xf32>
    tpu.vector_store %arg7[%swap3A, %swap3A_10], %add3A_9 {strides = array<i32>} : memref<1000x32xf32, #tpu.memory_space<vmem>>, vector<1000x32xf32>,
    %get3A_12 = arith.constant 0 : index
    %get3A_13 = arith.constant 0 : index
    %get3A_14 = vector.load %arg2[%get3A_12, %get3A_13] : memref<1000x128xf32, #tpu.memory_space<vmem>>, vector<1000x128xf32>
    %get3A_15 = arith.constant 0 : index
    %get3A_16 = arith.constant 0 : index
    %get3A_17 = vector.load %arg5[%get3A_15, %get3A_16] : memref<128x32xf32, #tpu.memory_space<vmem>>, vector<128x32xf32>
    %dot_general3A_18 = arith.constant dense<0.000000e+00> : vector<1000x32xf32>
    %dot_general3A_19 = tpu.matmul %get3A_14, %get3A_17, %dot_general3A_18 {dimension_numbers = #tpu.dot_dimension_numbers<[1], [0], [0], [1], [0, 0, 1, 1], [], []>, transpose_lhs_hint = false} : vector<1000x128xf32>, vector<128x32xf32>, vector<1000x32xf32> -> vector<1000x32xf32>
    %get3A_20 = arith.constant 0 : index
    %get3A_21 = arith.constant 0 : index
    %get3A_22 = vector.load %arg6[%get3A_20, %get3A_21] : memref<1x32xf32, #tpu.memory_space<vmem>>, vector<1x32xf32>
    %add3A_23 = vector.broadcast %get3A_22 : vector<1x32xf32> to vector<1000x32xf32>
    %add3A_24 = arith.addf %dot_general3A_19, %add3A_23 : vector<1000x32xf32>
    %swap3A_25 = arith.constant 0 : index
    %swap3A_26 = arith.constant 0 : index
    %swap3A_27 = vector.load %arg8[%swap3A_25, %swap3A_26] : memref<1000x32xf32, #tpu.memory_space<vmem>>, vector<1000x32xf32>
    tpu.vector_store %arg8[%swap3A_25, %swap3A_26], %add3A_24 {strides = array<i32>} : memref<1000x32xf32, #tpu.memory_space<vmem>>, vector<1000x32xf32>,
    return
  }
  func.func @transform_0(%arg0: i32) -> (i32, i32) {
    %c0_i32 = arith.constant 0 : i32
    %c0_i32_0 = arith.constant 0 : i32
    return %arg0, %c0_i32 : i32, i32
  }
  func.func @transform_1(%arg0: i32) -> (i32, i32) {
    %c0_i32 = arith.constant 0 : i32
    %c0_i32_0 = arith.constant 0 : i32
    return %arg0, %c0_i32 : i32, i32
  }
  func.func @transform_2(%arg0: i32) -> (i32, i32) {
    %c0_i32 = arith.constant 0 : i32
    %c0_i32_0 = arith.constant 0 : i32
    %c0_i32_1 = arith.constant 0 : i32
    return %c0_i32, %c0_i32_0 : i32, i32
  }
  func.func @transform_3(%arg0: i32) -> (i32, i32) {
    %c0_i32 = arith.constant 0 : i32
    %c0_i32_0 = arith.constant 0 : i32
    %c0_i32_1 = arith.constant 0 : i32
    return %c0_i32, %c0_i32_0 : i32, i32
  }
  func.func @transform_4(%arg0: i32) -> (i32, i32) {
    %c0_i32 = arith.constant 0 : i32
    %c0_i32_0 = arith.constant 0 : i32
    %c0_i32_1 = arith.constant 0 : i32
    return %c0_i32, %c0_i32_0 : i32, i32
  }
  func.func @transform_5(%arg0: i32) -> (i32, i32) {
    %c0_i32 = arith.constant 0 : i32
    %c0_i32_0 = arith.constant 0 : i32
    %c0_i32_1 = arith.constant 0 : i32
    return %c0_i32, %c0_i32_0 : i32, i32
  }
  func.func @transform_6(%arg0: i32) -> (i32, i32) {
    %c0_i32 = arith.constant 0 : i32
    %c0_i32_0 = arith.constant 0 : i32
    return %arg0, %c0_i32 : i32, i32
  }
  func.func @transform_7(%arg0: i32) -> (i32, i32) {
    %c0_i32 = arith.constant 0 : i32
    %c0_i32_0 = arith.constant 0 : i32
    return %arg0, %c0_i32 : i32, i32
  }
}

module attributes {stable_mosaic.version = 14 : i64} {
  func.func @_hel_body(%arg0: i32, %arg1: memref<1000x32xf32, #tpu.memory_space<vmem>>, %arg2: memref<32x64xf32, #tpu.memory_space<vmem>>, %arg3: memref<64x2xf32, #tpu.memory_space<vmem>>, %arg4: memref<64x2xf32, #tpu.memory_space<vmem>>, %arg5: memref<1000x64xf32, #tpu.memory_space<vmem>>, %arg6: memref<1000x2xf32, #tpu.memory_space<vmem>>, %arg7: memref<1000x2xf32, #tpu.memory_space<vmem>>) attributes {dimension_semantics = [#tpu.dimension_semantics<arbitrary>], iteration_bounds = array<i64: 50>, scalar_prefetch = 0 : i64, scratch_operands = 0 : i64, tpu.core_type = #tpu.core_type<tc>, window_params = [{transform_indices = @transform_0, window_bounds = array<i64: 1000, 32>}, {pipeline_mode = #tpu.pipeline_mode<synchronous>, transform_indices = @transform_1, window_bounds = array<i64: 32, 64>}, {pipeline_mode = #tpu.pipeline_mode<synchronous>, transform_indices = @transform_2, window_bounds = array<i64: 64, 2>}, {pipeline_mode = #tpu.pipeline_mode<synchronous>, transform_indices = @transform_3, window_bounds = array<i64: 64, 2>}, {transform_indices = @transform_4, window_bounds = array<i64: 1000, 64>}, {transform_indices = @transform_5, window_bounds = array<i64: 1000, 2>}, {transform_indices = @transform_6, window_bounds = array<i64: 1000, 2>}]} {
    %get3A = arith.constant 0 : index
    %get3A_0 = arith.constant 0 : index
    %get3A_1 = vector.load %arg1[%get3A, %get3A_0] : memref<1000x32xf32, #tpu.memory_space<vmem>>, vector<1000x32xf32>
    %get3A_2 = arith.constant 0 : index
    %get3A_3 = arith.constant 0 : index
    %get3A_4 = vector.load %arg2[%get3A_2, %get3A_3] : memref<32x64xf32, #tpu.memory_space<vmem>>, vector<32x64xf32>
    %dot_general3A = arith.constant dense<0.000000e+00> : vector<1000x64xf32>
    %dot_general3A_5 = tpu.matmul %get3A_1, %get3A_4, %dot_general3A {dimension_numbers = #tpu.dot_dimension_numbers<[1], [0], [0], [1], [0, 0, 1, 1], [], []>, transpose_lhs_hint = false} : vector<1000x32xf32>, vector<32x64xf32>, vector<1000x64xf32> -> vector<1000x64xf32>
    %swap3A = arith.constant 0 : index
    %swap3A_6 = arith.constant 0 : index
    %swap3A_7 = vector.load %arg5[%swap3A, %swap3A_6] : memref<1000x64xf32, #tpu.memory_space<vmem>>, vector<1000x64xf32>
    tpu.vector_store %arg5[%swap3A, %swap3A_6], %dot_general3A_5 {strides = array<i32>} : memref<1000x64xf32, #tpu.memory_space<vmem>>, vector<1000x64xf32>,
    %get3A_8 = arith.constant 0 : index
    %get3A_9 = arith.constant 0 : index
    %get3A_10 = vector.load %arg3[%get3A_8, %get3A_9] : memref<64x2xf32, #tpu.memory_space<vmem>>, vector<64x2xf32>
    %dot_general3A_11 = arith.constant dense<0.000000e+00> : vector<1000x2xf32>
    %dot_general3A_12 = tpu.matmul %dot_general3A_5, %get3A_10, %dot_general3A_11 {dimension_numbers = #tpu.dot_dimension_numbers<[1], [0], [0], [1], [0, 0, 1, 1], [], []>, transpose_lhs_hint = false} : vector<1000x64xf32>, vector<64x2xf32>, vector<1000x2xf32> -> vector<1000x2xf32>
    %swap3A_13 = arith.constant 0 : index
    %swap3A_14 = arith.constant 0 : index
    %swap3A_15 = vector.load %arg6[%swap3A_13, %swap3A_14] : memref<1000x2xf32, #tpu.memory_space<vmem>>, vector<1000x2xf32>
    tpu.vector_store %arg6[%swap3A_13, %swap3A_14], %dot_general3A_12 {strides = array<i32>} : memref<1000x2xf32, #tpu.memory_space<vmem>>, vector<1000x2xf32>,
    %get3A_16 = arith.constant 0 : index
    %get3A_17 = arith.constant 0 : index
    %get3A_18 = vector.load %arg4[%get3A_16, %get3A_17] : memref<64x2xf32, #tpu.memory_space<vmem>>, vector<64x2xf32>
    %dot_general3A_19 = arith.constant dense<0.000000e+00> : vector<1000x2xf32>
    %dot_general3A_20 = tpu.matmul %dot_general3A_5, %get3A_18, %dot_general3A_19 {dimension_numbers = #tpu.dot_dimension_numbers<[1], [0], [0], [1], [0, 0, 1, 1], [], []>, transpose_lhs_hint = false} : vector<1000x64xf32>, vector<64x2xf32>, vector<1000x2xf32> -> vector<1000x2xf32>
    %swap3A_21 = arith.constant 0 : index
    %swap3A_22 = arith.constant 0 : index
    %swap3A_23 = vector.load %arg7[%swap3A_21, %swap3A_22] : memref<1000x2xf32, #tpu.memory_space<vmem>>, vector<1000x2xf32>
    tpu.vector_store %arg7[%swap3A_21, %swap3A_22], %dot_general3A_20 {strides = array<i32>} : memref<1000x2xf32, #tpu.memory_space<vmem>>, vector<1000x2xf32>,
    return
  }
  func.func @transform_0(%arg0: i32) -> (i32, i32) {
    %c0_i32 = arith.constant 0 : i32
    %c0_i32_0 = arith.constant 0 : i32
    return %arg0, %c0_i32 : i32, i32
  }
  func.func @transform_1(%arg0: i32) -> (i32, i32) {
    %c0_i32 = arith.constant 0 : i32
    %c0_i32_0 = arith.constant 0 : i32
    %c0_i32_1 = arith.constant 0 : i32
    return %c0_i32, %c0_i32_0 : i32, i32
  }
  func.func @transform_2(%arg0: i32) -> (i32, i32) {
    %c0_i32 = arith.constant 0 : i32
    %c0_i32_0 = arith.constant 0 : i32
    %c0_i32_1 = arith.constant 0 : i32
    return %c0_i32, %c0_i32_0 : i32, i32
  }
  func.func @transform_3(%arg0: i32) -> (i32, i32) {
    %c0_i32 = arith.constant 0 : i32
    %c0_i32_0 = arith.constant 0 : i32
    %c0_i32_1 = arith.constant 0 : i32
    return %c0_i32, %c0_i32_0 : i32, i32
  }
  func.func @transform_4(%arg0: i32) -> (i32, i32) {
    %c0_i32 = arith.constant 0 : i32
    %c0_i32_0 = arith.constant 0 : i32
    return %arg0, %c0_i32 : i32, i32
  }
  func.func @transform_5(%arg0: i32) -> (i32, i32) {
    %c0_i32 = arith.constant 0 : i32
    %c0_i32_0 = arith.constant 0 : i32
    return %arg0, %c0_i32 : i32, i32
  }
  func.func @transform_6(%arg0: i32) -> (i32, i32) {
    %c0_i32 = arith.constant 0 : i32
    %c0_i32_0 = arith.constant 0 : i32
    return %arg0, %c0_i32 : i32, i32
  }
}

module attributes {stable_mosaic.version = 14 : i64} {
  func.func @_edge_body(%arg0: i32, %arg1: i32, %arg2: memref<1x512x1xi32, #tpu.memory_space<vmem>>, %arg3: memref<1x1x3200xi32, #tpu.memory_space<vmem>>, %arg4: memref<1x3200x2xf32, #tpu.memory_space<vmem>>, %arg5: memref<1x3200x2xf32, #tpu.memory_space<vmem>>, %arg6: memref<1x3200x64xf32, #tpu.memory_space<vmem>>, %arg7: memref<512x64xf32, #tpu.memory_space<vmem>>, %arg8: memref<512x2xf32, #tpu.memory_space<vmem>>) attributes {dimension_semantics = [#tpu.dimension_semantics<arbitrary>, #tpu.dimension_semantics<arbitrary>], iteration_bounds = array<i64: 16, 250>, scalar_prefetch = 0 : i64, scratch_operands = 0 : i64, tpu.core_type = #tpu.core_type<tc>, window_params = [{transform_indices = @transform_0, window_bounds = array<i64: 1, 512, 1>}, {transform_indices = @transform_1, window_bounds = array<i64: 1, 1, 3200>}, {transform_indices = @transform_2, window_bounds = array<i64: 1, 3200, 2>}, {transform_indices = @transform_3, window_bounds = array<i64: 1, 3200, 2>}, {transform_indices = @transform_4, window_bounds = array<i64: 1, 3200, 64>}, {transform_indices = @transform_5, window_bounds = array<i64: 512, 64>}, {transform_indices = @transform_6, window_bounds = array<i64: 512, 2>}]} {
    %eq3A = arith.constant 0 : i32
    %eq3A_0 = arith.cmpi eq, %arg1, %eq3A : i32
    %convert_element_type3A = arith.extui %eq3A_0 : i1 to i32
    %cond3A = arith.constant 0 : i32
    %cond3A_1 = arith.cmpi ne, %convert_element_type3A, %cond3A : i32
    scf.if %cond3A_1 {
      %broadcast_in_dim3A_59 = arith.constant 0.000000e+00 : f32
      %broadcast_in_dim3A_60 = vector.broadcast %broadcast_in_dim3A_59 : f32 to vector<512x64xf32>
      %swap3A_61 = arith.constant 0 : index
      %swap3A_62 = arith.constant 0 : index
      %swap3A_63 = vector.load %arg7[%swap3A_61, %swap3A_62] : memref<512x64xf32, #tpu.memory_space<vmem>>, vector<512x64xf32>
      tpu.vector_store %arg7[%swap3A_61, %swap3A_62], %broadcast_in_dim3A_60 {strides = array<i32>} : memref<512x64xf32, #tpu.memory_space<vmem>>, vector<512x64xf32>,
      %broadcast_in_dim3A_64 = arith.constant 0.000000e+00 : f32
      %broadcast_in_dim3A_65 = vector.broadcast %broadcast_in_dim3A_64 : f32 to vector<512x2xf32>
      %swap3A_66 = arith.constant 0 : index
      %swap3A_67 = arith.constant 0 : index
      %swap3A_68 = vector.load %arg8[%swap3A_66, %swap3A_67] : memref<512x2xf32, #tpu.memory_space<vmem>>, vector<512x2xf32>
      tpu.vector_store %arg8[%swap3A_66, %swap3A_67], %broadcast_in_dim3A_65 {strides = array<i32>} : memref<512x2xf32, #tpu.memory_space<vmem>>, vector<512x2xf32>,
    } else {
    }
    %get3A = arith.constant 0 : index
    %get3A_2 = arith.constant 0 : index
    %get3A_3 = arith.constant 0 : index
    %get3A_4 = vector.load %arg4[%get3A, %get3A_2, %get3A_3] : memref<1x3200x2xf32, #tpu.memory_space<vmem>>, vector<1x3200x2xf32>
    %get3A_5 = vector.shape_cast %get3A_4 : vector<1x3200x2xf32> to vector<3200x2xf32>
    %get3A_6 = arith.constant 0 : index
    %get3A_7 = arith.constant 0 : index
    %get3A_8 = arith.constant 0 : index
    %get3A_9 = vector.load %arg5[%get3A_6, %get3A_7, %get3A_8] : memref<1x3200x2xf32, #tpu.memory_space<vmem>>, vector<1x3200x2xf32>
    %get3A_10 = vector.shape_cast %get3A_9 : vector<1x3200x2xf32> to vector<3200x2xf32>
    %add3A = arith.addf %get3A_5, %get3A_10 : vector<3200x2xf32>
    %ge3A = arith.constant 0.000000e+00 : f32
    %ge3A_11 = vector.broadcast %ge3A : f32 to vector<3200x2xf32>
    %ge3A_12 = arith.cmpf oge, %add3A, %ge3A_11 : vector<3200x2xf32>
    %mul3A = arith.constant 2.000000e-01 : f32
    %mul3A_13 = vector.broadcast %mul3A : f32 to vector<3200x2xf32>
    %mul3A_14 = arith.mulf %mul3A_13, %add3A : vector<3200x2xf32>
    %select_n3A = arith.select %ge3A_12, %add3A, %mul3A_14 : vector<3200x2xi1>, vector<3200x2xf32>
    %exp3A = math.exp %select_n3A : vector<3200x2xf32>
    %iota3A = tpu.iota {dimensions = array<i32: 1>} : vector<3200x64xi32>
    %slice3A = vector.extract_strided_slice %exp3A {offsets = [0, 0], sizes = [3200, 1], strides = [1, 1]} : vector<3200x2xf32> to vector<3200x1xf32>
    %broadcast_in_dim3A = vector.shape_cast %slice3A : vector<3200x1xf32> to vector<3200x1xf32>
    %broadcast_in_dim3A_15 = vector.broadcast %broadcast_in_dim3A : vector<3200x1xf32> to vector<3200x64xf32>
    %slice3A_16 = vector.extract_strided_slice %exp3A {offsets = [0, 1], sizes = [3200, 1], strides = [1, 1]} : vector<3200x2xf32> to vector<3200x1xf32>
    %broadcast_in_dim3A_17 = vector.shape_cast %slice3A_16 : vector<3200x1xf32> to vector<3200x1xf32>
    %broadcast_in_dim3A_18 = vector.broadcast %broadcast_in_dim3A_17 : vector<3200x1xf32> to vector<3200x64xf32>
    %get3A_19 = arith.constant 0 : index
    %get3A_20 = arith.constant 0 : index
    %get3A_21 = arith.constant 0 : index
    %get3A_22 = vector.load %arg6[%get3A_19, %get3A_20, %get3A_21] : memref<1x3200x64xf32, #tpu.memory_space<vmem>>, vector<1x3200x64xf32>
    %get3A_23 = vector.shape_cast %get3A_22 : vector<1x3200x64xf32> to vector<3200x64xf32>
    %lt3A = arith.constant 32 : i32
    %lt3A_24 = vector.broadcast %lt3A : i32 to vector<3200x64xi32>
    %lt3A_25 = arith.cmpi slt, %iota3A, %lt3A_24 : vector<3200x64xi32>
    %select_n3A_26 = arith.select %lt3A_25, %broadcast_in_dim3A_15, %broadcast_in_dim3A_18 : vector<3200x64xi1>, vector<3200x64xf32>
    %mul3A_27 = arith.mulf %get3A_23, %select_n3A_26 : vector<3200x64xf32>
    %get3A_28 = arith.constant 0 : index
    %get3A_29 = arith.constant 0 : index
    %get3A_30 = arith.constant 0 : index
    %get3A_31 = vector.load %arg2[%get3A_28, %get3A_29, %get3A_30] : memref<1x512x1xi32, #tpu.memory_space<vmem>>, vector<1x512x1xi32>
    %get3A_32 = vector.shape_cast %get3A_31 : vector<1x512x1xi32> to vector<512x1xi32>
    %get3A_33 = arith.constant 0 : index
    %get3A_34 = arith.constant 0 : index
    %get3A_35 = arith.constant 0 : index
    %get3A_36 = vector.load %arg3[%get3A_33, %get3A_34, %get3A_35] : memref<1x1x3200xi32, #tpu.memory_space<vmem>>, vector<1x1x3200xi32>
    %get3A_37 = vector.shape_cast %get3A_36 : vector<1x1x3200xi32> to vector<1x3200xi32>
    %eq3A_38 = vector.broadcast %get3A_32 : vector<512x1xi32> to vector<512x3200xi32>
    %eq3A_39 = vector.broadcast %get3A_37 : vector<1x3200xi32> to vector<512x3200xi32>
    %eq3A_40 = arith.cmpi eq, %eq3A_38, %eq3A_39 : vector<512x3200xi32>
    %convert_element_type3A_41 = arith.extui %eq3A_40 : vector<512x3200xi1> to vector<512x3200xi32>
    %convert_element_type3A_42 = arith.sitofp %convert_element_type3A_41 : vector<512x3200xi32> to vector<512x3200xf32>
    %get3A_43 = arith.constant 0 : index
    %get3A_44 = arith.constant 0 : index
    %get3A_45 = vector.load %arg7[%get3A_43, %get3A_44] : memref<512x64xf32, #tpu.memory_space<vmem>>, vector<512x64xf32>
    %dot_general3A = arith.constant dense<0.000000e+00> : vector<512x64xf32>
    %dot_general3A_46 = tpu.matmul %convert_element_type3A_42, %mul3A_27, %dot_general3A {dimension_numbers = #tpu.dot_dimension_numbers<[1], [0], [0], [1], [0, 0, 1, 1], [], []>, transpose_lhs_hint = false} : vector<512x3200xf32>, vector<3200x64xf32>, vector<512x64xf32> -> vector<512x64xf32>
    %add3A_47 = arith.addf %get3A_45, %dot_general3A_46 : vector<512x64xf32>
    %swap3A = arith.constant 0 : index
    %swap3A_48 = arith.constant 0 : index
    %swap3A_49 = vector.load %arg7[%swap3A, %swap3A_48] : memref<512x64xf32, #tpu.memory_space<vmem>>, vector<512x64xf32>
    tpu.vector_store %arg7[%swap3A, %swap3A_48], %add3A_47 {strides = array<i32>} : memref<512x64xf32, #tpu.memory_space<vmem>>, vector<512x64xf32>,
    %get3A_50 = arith.constant 0 : index
    %get3A_51 = arith.constant 0 : index
    %get3A_52 = vector.load %arg8[%get3A_50, %get3A_51] : memref<512x2xf32, #tpu.memory_space<vmem>>, vector<512x2xf32>
    %dot_general3A_53 = arith.constant dense<0.000000e+00> : vector<512x2xf32>
    %dot_general3A_54 = tpu.matmul %convert_element_type3A_42, %exp3A, %dot_general3A_53 {dimension_numbers = #tpu.dot_dimension_numbers<[1], [0], [0], [1], [0, 0, 1, 1], [], []>, transpose_lhs_hint = false} : vector<512x3200xf32>, vector<3200x2xf32>, vector<512x2xf32> -> vector<512x2xf32>
    %add3A_55 = arith.addf %get3A_52, %dot_general3A_54 : vector<512x2xf32>
    %swap3A_56 = arith.constant 0 : index
    %swap3A_57 = arith.constant 0 : index
    %swap3A_58 = vector.load %arg8[%swap3A_56, %swap3A_57] : memref<512x2xf32, #tpu.memory_space<vmem>>, vector<512x2xf32>
    tpu.vector_store %arg8[%swap3A_56, %swap3A_57], %add3A_55 {strides = array<i32>} : memref<512x2xf32, #tpu.memory_space<vmem>>, vector<512x2xf32>,
    return
  }
  func.func @transform_0(%arg0: i32, %arg1: i32) -> (i32, i32, i32) {
    %c0_i32 = arith.constant 0 : i32
    %c0_i32_0 = arith.constant 0 : i32
    %c0_i32_1 = arith.constant 0 : i32
    return %arg0, %c0_i32, %c0_i32_0 : i32, i32, i32
  }
  func.func @transform_1(%arg0: i32, %arg1: i32) -> (i32, i32, i32) {
    %c0_i32 = arith.constant 0 : i32
    %c0_i32_0 = arith.constant 0 : i32
    %c0_i32_1 = arith.constant 0 : i32
    return %arg1, %c0_i32, %c0_i32_0 : i32, i32, i32
  }
  func.func @transform_2(%arg0: i32, %arg1: i32) -> (i32, i32, i32) {
    %c0_i32 = arith.constant 0 : i32
    %c0_i32_0 = arith.constant 0 : i32
    %c0_i32_1 = arith.constant 0 : i32
    return %arg1, %c0_i32, %c0_i32_0 : i32, i32, i32
  }
  func.func @transform_3(%arg0: i32, %arg1: i32) -> (i32, i32, i32) {
    %c0_i32 = arith.constant 0 : i32
    %c0_i32_0 = arith.constant 0 : i32
    %c0_i32_1 = arith.constant 0 : i32
    return %arg1, %c0_i32, %c0_i32_0 : i32, i32, i32
  }
  func.func @transform_4(%arg0: i32, %arg1: i32) -> (i32, i32, i32) {
    %c0_i32 = arith.constant 0 : i32
    %c0_i32_0 = arith.constant 0 : i32
    %c0_i32_1 = arith.constant 0 : i32
    return %arg1, %c0_i32, %c0_i32_0 : i32, i32, i32
  }
  func.func @transform_5(%arg0: i32, %arg1: i32) -> (i32, i32) {
    %c0_i32 = arith.constant 0 : i32
    %c0_i32_0 = arith.constant 0 : i32
    return %arg0, %c0_i32 : i32, i32
  }
  func.func @transform_6(%arg0: i32, %arg1: i32) -> (i32, i32) {
    %c0_i32 = arith.constant 0 : i32
    %c0_i32_0 = arith.constant 0 : i32
    return %arg0, %c0_i32 : i32, i32
  }
}

module attributes {stable_mosaic.version = 14 : i64} {
  func.func @_tail_body(%arg0: memref<8192x64xf32, #tpu.memory_space<vmem>>, %arg1: memref<8192x2xf32, #tpu.memory_space<vmem>>, %arg2: memref<8192x64xf32, #tpu.memory_space<vmem>>, %arg3: memref<8192x2xf32, #tpu.memory_space<vmem>>, %arg4: memref<64x128xf32, #tpu.memory_space<vmem>>, %arg5: memref<1x128xf32, #tpu.memory_space<vmem>>, %arg6: memref<128x1xf32, #tpu.memory_space<vmem>>, %arg7: memref<64x64xf32, #tpu.memory_space<vmem>>, %arg8: memref<1x64xf32, #tpu.memory_space<vmem>>, %arg9: memref<8192x64xf32, #tpu.memory_space<vmem>>) attributes {dimension_semantics = [], scalar_prefetch = 0 : i64, scratch_operands = 0 : i64, tpu.core_type = #tpu.core_type<tc>} {
    %iota3A = tpu.iota {dimensions = array<i32: 1>} : vector<8192x64xi32>
    %lt3A = arith.constant 32 : i32
    %lt3A_0 = vector.broadcast %lt3A : i32 to vector<8192x64xi32>
    %lt3A_1 = arith.cmpi slt, %iota3A, %lt3A_0 : vector<8192x64xi32>
    %get3A = arith.constant 0 : index
    %get3A_2 = arith.constant 0 : index
    %get3A_3 = vector.load %arg1[%get3A, %get3A_2] : memref<8192x2xf32, #tpu.memory_space<vmem>>, vector<8192x2xf32>
    %slice3A = vector.extract_strided_slice %get3A_3 {offsets = [0, 0], sizes = [8192, 1], strides = [1, 1]} : vector<8192x2xf32> to vector<8192x1xf32>
    %broadcast_in_dim3A = vector.shape_cast %slice3A : vector<8192x1xf32> to vector<8192x1xf32>
    %broadcast_in_dim3A_4 = vector.broadcast %broadcast_in_dim3A : vector<8192x1xf32> to vector<8192x64xf32>
    %get3A_5 = arith.constant 0 : index
    %get3A_6 = arith.constant 0 : index
    %get3A_7 = vector.load %arg1[%get3A_5, %get3A_6] : memref<8192x2xf32, #tpu.memory_space<vmem>>, vector<8192x2xf32>
    %slice3A_8 = vector.extract_strided_slice %get3A_7 {offsets = [0, 1], sizes = [8192, 1], strides = [1, 1]} : vector<8192x2xf32> to vector<8192x1xf32>
    %broadcast_in_dim3A_9 = vector.shape_cast %slice3A_8 : vector<8192x1xf32> to vector<8192x1xf32>
    %broadcast_in_dim3A_10 = vector.broadcast %broadcast_in_dim3A_9 : vector<8192x1xf32> to vector<8192x64xf32>
    %select_n3A = arith.select %lt3A_1, %broadcast_in_dim3A_4, %broadcast_in_dim3A_10 : vector<8192x64xi1>, vector<8192x64xf32>
    %get3A_11 = arith.constant 0 : index
    %get3A_12 = arith.constant 0 : index
    %get3A_13 = vector.load %arg0[%get3A_11, %get3A_12] : memref<8192x64xf32, #tpu.memory_space<vmem>>, vector<8192x64xf32>
    %add3A = arith.constant 9.99999971E-10 : f32
    %add3A_14 = vector.broadcast %add3A : f32 to vector<8192x64xf32>
    %add3A_15 = arith.addf %select_n3A, %add3A_14 : vector<8192x64xf32>
    %div3A = arith.divf %get3A_13, %add3A_15 : vector<8192x64xf32>
    %gt3A = arith.constant 0.000000e+00 : f32
    %gt3A_16 = vector.broadcast %gt3A : f32 to vector<8192x64xf32>
    %gt3A_17 = arith.cmpf ogt, %div3A, %gt3A_16 : vector<8192x64xf32>
    %exp3A = math.exp %div3A : vector<8192x64xf32>
    %sub3A = arith.constant 1.000000e+00 : f32
    %sub3A_18 = vector.broadcast %sub3A : f32 to vector<8192x64xf32>
    %sub3A_19 = arith.subf %exp3A, %sub3A_18 : vector<8192x64xf32>
    %select_n3A_20 = arith.select %gt3A_17, %div3A, %sub3A_19 : vector<8192x64xi1>, vector<8192x64xf32>
    %lt3A_21 = arith.constant 32 : i32
    %lt3A_22 = vector.broadcast %lt3A_21 : i32 to vector<8192x64xi32>
    %lt3A_23 = arith.cmpi slt, %iota3A, %lt3A_22 : vector<8192x64xi32>
    %get3A_24 = arith.constant 0 : index
    %get3A_25 = arith.constant 0 : index
    %get3A_26 = vector.load %arg3[%get3A_24, %get3A_25] : memref<8192x2xf32, #tpu.memory_space<vmem>>, vector<8192x2xf32>
    %slice3A_27 = vector.extract_strided_slice %get3A_26 {offsets = [0, 0], sizes = [8192, 1], strides = [1, 1]} : vector<8192x2xf32> to vector<8192x1xf32>
    %broadcast_in_dim3A_28 = vector.shape_cast %slice3A_27 : vector<8192x1xf32> to vector<8192x1xf32>
    %broadcast_in_dim3A_29 = vector.broadcast %broadcast_in_dim3A_28 : vector<8192x1xf32> to vector<8192x64xf32>
    %get3A_30 = arith.constant 0 : index
    %get3A_31 = arith.constant 0 : index
    %get3A_32 = vector.load %arg3[%get3A_30, %get3A_31] : memref<8192x2xf32, #tpu.memory_space<vmem>>, vector<8192x2xf32>
    %slice3A_33 = vector.extract_strided_slice %get3A_32 {offsets = [0, 1], sizes = [8192, 1], strides = [1, 1]} : vector<8192x2xf32> to vector<8192x1xf32>
    %broadcast_in_dim3A_34 = vector.shape_cast %slice3A_33 : vector<8192x1xf32> to vector<8192x1xf32>
    %broadcast_in_dim3A_35 = vector.broadcast %broadcast_in_dim3A_34 : vector<8192x1xf32> to vector<8192x64xf32>
    %select_n3A_36 = arith.select %lt3A_23, %broadcast_in_dim3A_29, %broadcast_in_dim3A_35 : vector<8192x64xi1>, vector<8192x64xf32>
    %get3A_37 = arith.constant 0 : index
    %get3A_38 = arith.constant 0 : index
    %get3A_39 = vector.load %arg2[%get3A_37, %get3A_38] : memref<8192x64xf32, #tpu.memory_space<vmem>>, vector<8192x64xf32>
    %add3A_40 = arith.constant 9.99999971E-10 : f32
    %add3A_41 = vector.broadcast %add3A_40 : f32 to vector<8192x64xf32>
    %add3A_42 = arith.addf %select_n3A_36, %add3A_41 : vector<8192x64xf32>
    %div3A_43 = arith.divf %get3A_39, %add3A_42 : vector<8192x64xf32>
    %gt3A_44 = arith.constant 0.000000e+00 : f32
    %gt3A_45 = vector.broadcast %gt3A_44 : f32 to vector<8192x64xf32>
    %gt3A_46 = arith.cmpf ogt, %div3A_43, %gt3A_45 : vector<8192x64xf32>
    %exp3A_47 = math.exp %div3A_43 : vector<8192x64xf32>
    %sub3A_48 = arith.constant 1.000000e+00 : f32
    %sub3A_49 = vector.broadcast %sub3A_48 : f32 to vector<8192x64xf32>
    %sub3A_50 = arith.subf %exp3A_47, %sub3A_49 : vector<8192x64xf32>
    %select_n3A_51 = arith.select %gt3A_46, %div3A_43, %sub3A_50 : vector<8192x64xi1>, vector<8192x64xf32>
    %get3A_52 = arith.constant 0 : index
    %get3A_53 = arith.constant 0 : index
    %get3A_54 = vector.load %arg4[%get3A_52, %get3A_53] : memref<64x128xf32, #tpu.memory_space<vmem>>, vector<64x128xf32>
    %dot_general3A = arith.constant dense<0.000000e+00> : vector<8192x128xf32>
    %dot_general3A_55 = tpu.matmul %select_n3A_20, %get3A_54, %dot_general3A {dimension_numbers = #tpu.dot_dimension_numbers<[1], [0], [0], [1], [0, 0, 1, 1], [], []>, transpose_lhs_hint = false} : vector<8192x64xf32>, vector<64x128xf32>, vector<8192x128xf32> -> vector<8192x128xf32>
    %get3A_56 = arith.constant 0 : index
    %get3A_57 = arith.constant 0 : index
    %get3A_58 = vector.load %arg5[%get3A_56, %get3A_57] : memref<1x128xf32, #tpu.memory_space<vmem>>, vector<1x128xf32>
    %add3A_59 = vector.broadcast %get3A_58 : vector<1x128xf32> to vector<8192x128xf32>
    %add3A_60 = arith.addf %dot_general3A_55, %add3A_59 : vector<8192x128xf32>
    %tanh3A = math.tanh %add3A_60 : vector<8192x128xf32>
    %get3A_61 = arith.constant 0 : index
    %get3A_62 = arith.constant 0 : index
    %get3A_63 = vector.load %arg6[%get3A_61, %get3A_62] : memref<128x1xf32, #tpu.memory_space<vmem>>, vector<128x1xf32>
    %dot_general3A_64 = arith.constant dense<0.000000e+00> : vector<8192x1xf32>
    %dot_general3A_65 = tpu.matmul %tanh3A, %get3A_63, %dot_general3A_64 {dimension_numbers = #tpu.dot_dimension_numbers<[1], [0], [0], [1], [0, 0, 1, 1], [], []>, transpose_lhs_hint = false} : vector<8192x128xf32>, vector<128x1xf32>, vector<8192x1xf32> -> vector<8192x1xf32>
    %get3A_66 = arith.constant 0 : index
    %get3A_67 = arith.constant 0 : index
    %get3A_68 = vector.load %arg4[%get3A_66, %get3A_67] : memref<64x128xf32, #tpu.memory_space<vmem>>, vector<64x128xf32>
    %dot_general3A_69 = arith.constant dense<0.000000e+00> : vector<8192x128xf32>
    %dot_general3A_70 = tpu.matmul %select_n3A_51, %get3A_68, %dot_general3A_69 {dimension_numbers = #tpu.dot_dimension_numbers<[1], [0], [0], [1], [0, 0, 1, 1], [], []>, transpose_lhs_hint = false} : vector<8192x64xf32>, vector<64x128xf32>, vector<8192x128xf32> -> vector<8192x128xf32>
    %get3A_71 = arith.constant 0 : index
    %get3A_72 = arith.constant 0 : index
    %get3A_73 = vector.load %arg5[%get3A_71, %get3A_72] : memref<1x128xf32, #tpu.memory_space<vmem>>, vector<1x128xf32>
    %add3A_74 = vector.broadcast %get3A_73 : vector<1x128xf32> to vector<8192x128xf32>
    %add3A_75 = arith.addf %dot_general3A_70, %add3A_74 : vector<8192x128xf32>
    %tanh3A_76 = math.tanh %add3A_75 : vector<8192x128xf32>
    %get3A_77 = arith.constant 0 : index
    %get3A_78 = arith.constant 0 : index
    %get3A_79 = vector.load %arg6[%get3A_77, %get3A_78] : memref<128x1xf32, #tpu.memory_space<vmem>>, vector<128x1xf32>
    %dot_general3A_80 = arith.constant dense<0.000000e+00> : vector<8192x1xf32>
    %dot_general3A_81 = tpu.matmul %tanh3A_76, %get3A_79, %dot_general3A_80 {dimension_numbers = #tpu.dot_dimension_numbers<[1], [0], [0], [1], [0, 0, 1, 1], [], []>, transpose_lhs_hint = false} : vector<8192x128xf32>, vector<128x1xf32>, vector<8192x1xf32> -> vector<8192x1xf32>
    %reduce_sum3A = vector.shape_cast %dot_general3A_65 : vector<8192x1xf32> to vector<1x8192x1xf32>
    %reduce_sum3A_82 = arith.constant dense<0.000000e+00> : vector<1xf32>
    %reduce_sum3A_83 = vector.multi_reduction <add>, %reduce_sum3A, %reduce_sum3A_82 [1, 2] : vector<1x8192x1xf32> to vector<1xf32>
    %reduce_sum3A_84 = vector.shape_cast %reduce_sum3A_83 : vector<1xf32> to vector<1x1x1xf32>
    %reduce_sum3A_85 = vector.extract %reduce_sum3A_84[0, 0, 0] : f32 from vector<1x1x1xf32>
    %div3A_86 = arith.constant 8.192000e+03 : f32
    %div3A_87 = arith.divf %reduce_sum3A_85, %div3A_86 : f32
    %reduce_sum3A_88 = vector.shape_cast %dot_general3A_81 : vector<8192x1xf32> to vector<1x8192x1xf32>
    %reduce_sum3A_89 = arith.constant dense<0.000000e+00> : vector<1xf32>
    %reduce_sum3A_90 = vector.multi_reduction <add>, %reduce_sum3A_88, %reduce_sum3A_89 [1, 2] : vector<1x8192x1xf32> to vector<1xf32>
    %reduce_sum3A_91 = vector.shape_cast %reduce_sum3A_90 : vector<1xf32> to vector<1x1x1xf32>
    %reduce_sum3A_92 = vector.extract %reduce_sum3A_91[0, 0, 0] : f32 from vector<1x1x1xf32>
    %div3A_93 = arith.constant 8.192000e+03 : f32
    %div3A_94 = arith.divf %reduce_sum3A_92, %div3A_93 : f32
    %max3A = arith.maximumf %div3A_87, %div3A_94 : f32
    %sub3A_95 = arith.subf %div3A_87, %max3A : f32
    %exp3A_96 = math.exp %sub3A_95 : f32
    %sub3A_97 = arith.subf %div3A_94, %max3A : f32
    %exp3A_98 = math.exp %sub3A_97 : f32
    %add3A_99 = arith.addf %exp3A_96, %exp3A_98 : f32
    %div3A_100 = arith.divf %exp3A_96, %add3A_99 : f32
    %mul3A = vector.broadcast %div3A_100 : f32 to vector<8192x64xf32>
    %mul3A_101 = arith.mulf %mul3A, %select_n3A_20 : vector<8192x64xf32>
    %div3A_102 = arith.divf %exp3A_98, %add3A_99 : f32
    %mul3A_103 = vector.broadcast %div3A_102 : f32 to vector<8192x64xf32>
    %mul3A_104 = arith.mulf %mul3A_103, %select_n3A_51 : vector<8192x64xf32>
    %add3A_105 = arith.addf %mul3A_101, %mul3A_104 : vector<8192x64xf32>
    %get3A_106 = arith.constant 0 : index
    %get3A_107 = arith.constant 0 : index
    %get3A_108 = vector.load %arg7[%get3A_106, %get3A_107] : memref<64x64xf32, #tpu.memory_space<vmem>>, vector<64x64xf32>
    %dot_general3A_109 = arith.constant dense<0.000000e+00> : vector<8192x64xf32>
    %dot_general3A_110 = tpu.matmul %add3A_105, %get3A_108, %dot_general3A_109 {dimension_numbers = #tpu.dot_dimension_numbers<[1], [0], [0], [1], [0, 0, 1, 1], [], []>, transpose_lhs_hint = false} : vector<8192x64xf32>, vector<64x64xf32>, vector<8192x64xf32> -> vector<8192x64xf32>
    %get3A_111 = arith.constant 0 : index
    %get3A_112 = arith.constant 0 : index
    %get3A_113 = vector.load %arg8[%get3A_111, %get3A_112] : memref<1x64xf32, #tpu.memory_space<vmem>>, vector<1x64xf32>
    %add3A_114 = vector.broadcast %get3A_113 : vector<1x64xf32> to vector<8192x64xf32>
    %add3A_115 = arith.addf %dot_general3A_110, %add3A_114 : vector<8192x64xf32>
    %swap3A = arith.constant 0 : index
    %swap3A_116 = arith.constant 0 : index
    %swap3A_117 = vector.load %arg9[%swap3A, %swap3A_116] : memref<8192x64xf32, #tpu.memory_space<vmem>>, vector<8192x64xf32>
    tpu.vector_store %arg9[%swap3A, %swap3A_116], %add3A_115 {strides = array<i32>} : memref<8192x64xf32, #tpu.memory_space<vmem>>, vector<8192x64xf32>,
    return
  }
}

</mosaic_0001>

<sc_bundles>
// kernel: gather_offload_async_start.1
scs
__scs_entry_jumppad:
0x0: {  	(pc) =	sbr.rel $0x88, $3  }
0x1: {  	(tag) =	ssettag $0x0;
	lr =	simm.s32 $0x1  }
0x2: {  	[smem:$0x3F7F] =	sst lr;
	_ =	strace $0xD0000000  }
0x3: {  	_ = 	snop  }
0x4: {  	_ = 	snop  }
0x5: {  	_ = 	snop  }
0x6: {  	_ = 	snop  }
0x7: {  	_ = 	snop  }
__scs_overlays_trampoline_lowered:
0x8: {  	[smem:$0x3F8E] =	sst s0  }
0x9: {  	[smem:$0x3F8F] =	sst s1  }
0xa: {  	[smem:$0x3F90] =	sst s2  }
0xb: {  	[smem:$0x3F91] =	sst s3  }
0xc: {  	[smem:$0x3F92] =	sst s4  }
0xd: {  	[smem:$0x3F93] =	sst s5  }
0xe: {  	[smem:$0x3F94] =	sst s6  }
0xf: {  	[smem:$0x3F95] =	sst s7  }
0x10: {  	[smem:$0x3F96] =	sst s8  }
0x11: {  	[smem:$0x3F97] =	sst s9;
	s0 =	simm.s32 @!p0 $0x0  }
0x12: {  	s1 =	sld [smem:$0x3F7D];
	s0 =	simm.s32 @p0 $0x1  }
0x13: {  	[smem:$0x3F98] =	sst s0;
	s0 =	simm.s32 @!p1 $0x0  }
0x14: {  	s2 =	sld [smem:$0x3F7C];
	s0 =	simm.s32 @p1 $0x1  }
0x15: {  	[smem:$0x3F99] =	sst s0;
	s0 =	simm.s32 @!p2 $0x0  }
0x16: {  	s3 =	sld [smem:$0x3FDB];
	s0 =	simm.s32 @p2 $0x1  }
0x17: {  	s4 =	simm.s32 $0x1BF5;
	[smem:$0x3F9B] =	sst s0  }
0x18: {  	s0 =	sld [smem:$0x3F7E];
	_ =	swait.ge [sflag:s4], $0x0  }
0x19: {  	s7 =	sld [smem:$0x3F7F]  }
0x1a: {  	s8 =	sadd.s32 $0xFFFFE003, lr  }
0x1b: {  	s9 =	sadd.s32 $0xFFFFFEF7, lr;
	s5 =	simm.s32 $0xFFFFFFFF;
	p2 =	slt.u32 s8, $0xFFFFF086  }
0x1c: {  	p1 =	slt.u32 s9, $0xF7A;
	s5 =	simm.s32 @!p2 $0x0  }
0x1d: {  	s5 =	simm.s32 @p1 $0x1;
	p0 =	seq.s32 s7, s2  }
0x1e: {  	s7 =	smul.u32 @!p0 $0xF7A, s2;
	p2 =	seq.s32 @!p0 s5, $0x0  }
0x1f: {  	s9 =	smul.u32 $0xF7A, s1;
	s8 =	simm.s32 @!p0 $0x1BF5;
	p2 =	por !p2, p0  }
0x20: {  	[sflag:s8] =	ssyncset.s32 @!p0 $0xFFFFF086;
	s6 =	sadd.s32 @!p0 s3, s7;
	s7 =	simm.s32 @!p0 $0x108  }
0x21: {  	s3 =	sadd.s32 s3, s9;
	s6 =	sadd.s32 @!p0 $0x88, s6;
	s7 =	simm.s32 @p2 $0x1082  }
0x22: {  	[simem:s7], [sflag:s8] =	dma.local @!p0 [hbm:s6], $0xF7A  }
0x23: {  	s9 =	sor.u32 $0xD0000000, s2;
	s6 =	simm.s32 $0x108;
	_ =	swait.ge @!p0 [sflag:s8], $0x0  }
0x24: {  	s3 =	sadd.s32 $0x88, s3;
	s6 =	simm.s32 @!p1 $0x1082;
	[sflag:s4] =	ssyncset.s32 $0xFFFFF086  }
0x25: {  	[simem:s6], [sflag:s4] =	dma.local [hbm:s3], $0xF7A  }
0x26: {  	[smem:$0x3F7F] =	sst s1;
	(tag) =	ssettag s2;
	_ =	strace s9  }
0x27: {  	s1 =	sld [smem:$0x3F8F]  }
0x28: {  	s2 =	sld [smem:$0x3F90]  }
0x29: {  	s4 =	sld [smem:$0x3F92]  }
0x2a: {  	p0 =	seq.s32 s5, $0x0;
	s5 =	sld [smem:$0x3F93]  }
0x2b: {  	s6 =	sld [smem:$0x3F94]  }
0x2c: {  	s7 =	sld [smem:$0x3F95]  }
0x2d: {  	s3 =	simm.s32 $0x108;
	s8 =	sld [smem:$0x3F96]  }
0x2e: {  	s3 =	simm.s32 @!p0 $0x1082;
	s9 =	sld [smem:$0x3F97]  }
0x2f: {  	lr =	sadd.s32 s0, s3;
	s0 =	sld [smem:$0x3F8E]  }
0x30: {  	s3 =	sld [smem:$0x3F91]  }
0x31: {  	[smem:$0x3F9A] =	sst s10  }
0x32: {  	s10 =	sld [smem:$0x3F98];
	_ =	sdelay $0x3  }
0x33: {  	p0 =	seq.s32 s10, $0x1;
	s10 =	sld [smem:$0x3F9A];
	_ =	sdelay $0x3  }
0x34: {  	[smem:$0x3F9A] =	sst s10  }
0x35: {  	s10 =	sld [smem:$0x3F99];
	_ =	sdelay $0x3  }
0x36: {  	p1 =	seq.s32 s10, $0x1;
	s10 =	sld [smem:$0x3F9A];
	_ =	sdelay $0x3  }
0x37: {  	[smem:$0x3F9A] =	sst s10  }
0x38: {  	s10 =	sld [smem:$0x3F9B]  }
0x39: {  	_ = 	snop;
	(pc) =	sbr.ind lr, $3  }
0x3a: {  	_ = 	snop  }
0x3b: {  	_ = 	snop  }
0x3c: {  	p2 =	seq.s32 s10, $0x1;
	s10 =	sld [smem:$0x3F9A]  }
0x3d: {  	_ =	shalt  }
0x3e: {  	_ =	shalt  }
0x3f: {  	_ =	shalt  }
0x40: {  	_ =	shalt  }
0x41: {  	_ =	shalt  }
0x42: {  	_ =	shalt  }
0x43: {  	_ =	shalt  }
0x44: {  	_ =	shalt  }
0x45: {  	_ =	shalt  }
0x46: {  	_ =	shalt  }
0x47: {  	_ =	shalt  }
0x48: {  	_ =	shalt  }
0x49: {  	_ =	shalt  }
0x4a: {  	_ =	shalt  }
0x4b: {  	_ =	shalt  }
0x4c: {  	_ =	shalt  }
0x4d: {  	_ =	shalt  }
0x4e: {  	_ =	shalt  }
0x4f: {  	_ =	shalt  }
0x50: {  	_ =	shalt  }
0x51: {  	_ =	shalt  }
0x52: {  	_ =	shalt  }
0x53: {  	_ =	shalt  }
0x54: {  	_ =	shalt  }
0x55: {  	_ =	shalt  }
0x56: {  	_ =	shalt  }
0x57: {  	_ =	shalt  }
0x58: {  	_ =	shalt  }
0x59: {  	_ =	shalt  }
0x5a: {  	_ =	shalt  }
0x5b: {  	_ =	shalt  }
0x5c: {  	_ =	shalt  }
0x5d: {  	_ =	shalt  }
0x5e: {  	_ =	shalt  }
0x5f: {  	_ =	shalt  }
0x60: {  	_ =	shalt  }
0x61: {  	_ =	shalt  }
0x62: {  	_ =	shalt  }
0x63: {  	_ =	shalt  }
0x64: {  	_ =	shalt  }
0x65: {  	_ =	shalt  }
0x66: {  	_ =	shalt  }
0x67: {  	_ =	shalt  }
0x68: {  	_ =	shalt  }
0x69: {  	_ =	shalt  }
0x6a: {  	_ =	shalt  }
0x6b: {  	_ =	shalt  }
0x6c: {  	_ =	shalt  }
0x6d: {  	_ =	shalt  }
0x6e: {  	_ =	shalt  }
0x6f: {  	_ =	shalt  }
0x70: {  	_ =	shalt  }
0x71: {  	_ =	shalt  }
0x72: {  	_ =	shalt  }
0x73: {  	_ =	shalt  }
0x74: {  	_ =	shalt  }
0x75: {  	_ =	shalt  }
0x76: {  	_ =	shalt  }
0x77: {  	_ =	shalt  }
0x78: {  	_ =	shalt  }
0x79: {  	_ =	shalt  }
0x7a: {  	_ =	shalt  }
0x7b: {  	_ =	shalt  }
0x7c: {  	_ =	shalt  }
0x7d: {  	_ =	shalt  }
0x7e: {  	_ =	shalt  }
0x7f: {  	_ =	shalt  }
0x80: {  	_ =	shalt  }
0x81: {  	_ =	shalt  }
0x82: {  	_ =	shalt  }
0x83: {  	_ =	shalt  }
0x84: {  	_ =	shalt  }
0x85: {  	_ =	shalt  }
0x86: {  	_ =	shalt  }
0x87: {  	_ =	shalt  }
.Lfunc_end0:
.L_simem_size_0:
called_computation.1_lowered:
.L_overlay_start_0:
0x88: {  	s0 =	sld [smem:$0x3FD9]  }
0x89: {  	s1 =	sld [smem:$0x3FFE];
	_ =	sdelay $0x3  }
0x8a: {  	s0 =	sadd.s32 s1, s0  }
0x8b: {  	[smem:$0x3FA6] =	sst s0  }
0x8c: {  	_ = 	snop  }
0x8d: {  	(tm) =	ssettm $0x1  }
0x8e: {  	s15 =	sld [smem:$0x3FFB];
	_ =	sdelay $0x3  }
0x8f: {  	_ =	strace s15  }
0x90: {  	s0 =	sld [smem:$0x3FFC];
	_ =	sdelay $0x3  }
0x91: {  	_ =	strace s0  }
0x92: {  	s0 =	sld [smem:$0x3FFD];
	_ =	sdelay $0x3  }
0x93: {  	_ =	strace s0  }
0x94: {  	_ =	strace $0x8FFFFFFF  }
0x95: {  	s16 =	sld [smem:$0x3FDB];
	_ =	sdelay $0x1  }
0x96: {  	s17 =	simm.s32 $_scs_section_size  }
0x97: {  	s2 =	simm.s32 $_size__tile_overlayer_lowered;
	s3 =	simm.s32 $_tile_overlayer_lowered  }
0x98: {  	s20 =	simm.s32 $0x1BFF;
	s19 =	sshll.u32 s3, $0x1;
	s0 =	sadd.s32 s17, s16  }
0x99: {  	s4 =	simm.s32 $0x0;
	s18 =	sshll.u32 s2, $0x1;
	s2 =	sadd.s32 s19, s0  }
0x9a: {  	[timem:s4], [sflag:s20] =	dma.local [hbm:s2], s18  }
0x9b: {  	_ =	swait.ge [sflag:s20], s18  }
0x9c: {  	s1 =	ssub.s32 $0x0, s18;
	[sflag:s20] =	ssyncset.done $0x0  }
0x9d: {  	[sflag:s20] =	ssyncadd.s32 s1;
	_ =	sdelay $0x1  }
0x9e: {  	s21 =	simm.s32 $0x1B8B  }
0x9f: {  	_ =	swait.ge [sflag:s21], $0x1  }
0xa0: {  	[sflag:s21] =	ssyncset.done $0x0  }
0xa1: {  	s23 =	simm.s32 $0x1B8E;
	s22 =	sld [smem:$0x3FFE];
	[sflag:s21] =	ssyncadd.s32 $0xFFFFFFFF  }
0xa2: {  	s24 =	simm.s32 $execute0_lowered;
	[smem:$0x3FD2] =	sst s23  }
0xa3: {  	s2 =	sshll.u32 s24, $0x1;
	_ =	strace $0x8000004C;
	[dreg:$0x1] =	wrdreg $0xFFFFFFFF  }
0xa4: {  	s25 =	simm.s32 $_size_execute0_lowered;
	s0 =	sadd.s32 s0, s2;
	[dreg:$0x0] =	wrdreg $0x0  }
0xa5: {  	s2 =	sshll.u32 s25, $0x1;
	[dreg:$0x2] =	wrdreg s0  }
0xa6: {  	[dreg:$0x3] =	wrdreg s2  }
0xa7: {  	[dreg:$0x4] =	wrdreg $0xC0  }
0xa8: {  	_ =	task [dreg:s4], $0x5FFFF  }
0xa9: {  	[dreg:$0x1] =	wrdreg $0xFFFFFFFF  }
0xaa: {  	[dreg:$0x0] =	wrdreg $0x60  }
0xab: {  	[dreg:$0x2] =	wrdreg s22  }
0xac: {  	[dreg:$0x3] =	wrdreg $0xA  }
0xad: {  	_ =	task.clear_ibuf [dreg:s4], $0x4FFFF;
	_ =	strace $0x9000004C  }
0xae: {  	s26 =	simm.s32 $0xA;
	_ =	strace $0x8000004E  }
0xaf: {  	_ =	swait.ge [sflag:s26], $0x1  }
0xb0: {  	[sflag:s26] =	ssyncadd.s32 $0xFFFFFFFF  }
0xb1: {  	_ =	strace $0x9000004E  }
0xb2: {  	_ =	sfence  }
0xb3: {  	s28 =	sld [smem:$0x0];
	_ =	sdelay $0x1  }
0xb4: {  	s29 =	srdreg.scid  }
0xb5: {  	s30 =	sshll.u32 s29, $0xD;
	s31 =	sshrl.u32 s29, $0x2  }
0xb6: {  	s1 =	sand.u32 $0x1, s29;
	s2 =	sand.u32 $0x4000, s30;
	s0 =	sadd.s32 s31, s28  }
0xb7: {  	s1 =	sor.u32 s2, s1;
	s0 =	sshll.u32 s0, $0x11  }
0xb8: {  	s0 =	sor.u32 s0, s1  }
0xb9: {  	s0 =	sadd.s32 $0x8F2B, s0  }
0xba: {  	[sflag:s0] =	ssyncadd.remote.s32 $0x1  }
0xbb: {  	_ =	sfence.sel $0xFFFF  }
0xbc: {  	[dreg:$0x0] =	wrdreg $0xFFFFFFFF;
	(pc) =	sbr.abs _section_cstart, $3  }
0xbd: {  	[dreg:$0x1] =	wrdreg $0xFFFFFFFF  }
0xbe: {  	_ =	task.clear_ibuf [dreg:s4], $0x2FFFF;
	_ =	strace $0x9FFFFFFF  }
0xbf: {  	(tm) =	ssettm $0x7FFFFFFF  }
tec
execute0_lowered:
.L_overlay_start_1:
0x0: {  	(tag) =	ssettag $0x1  }
0x1: {  	s0 =	stileid.u32  }
0x2: {  	s1 =	smul.u32 $0x7, s0  }
0x3: {  	s2 =	smin.u32 s0, $0xD  }
0x4: {  	s1 =	sadd.s32 s2, s1  }
0x5: {  	p0 =	slt.u32 s0, $0xD;
	s2 =	simm.s32 $0xC80;
	s1 =	smul.u32 $0x190, s1  }
0x6: {  	s2 =	simm.s32 @!p0 $0xAF0  }
0x7: {  	s2 =	sadd.s32 s2, s1  }
0x8: {  	s3 =	smin.u32 s2, $0xC350  }
0x9: {  	s7 =	ssub.s32 s3, s1  }
0xa: {  	p0 =	sgt.s32 s7, $0x0  }
0xb: {  	s7 =	simm.s32 @!p0 $0x0  }
0xc: {  	s31 =	sand.u32 $0xFFF0, s7  }
0xd: {  	s2 =	sshrl.u32 s31, $0x4  }
0xe: {  	s4 =	smul.u32 $0xA3E, s2  }
0xf: {  	s9 =	rddreg [dreg:$0x0];
	s6 =	simm.s32 $0x1;
	s11 =	simm.s32 $0x3  }
0x10: {  	s13 =	simm.s32 $0x0;
	s12 =	simm.s32 $0x0;
	s8 =	sshrl.u32 s4, $0x10  }
0x11: {  	s2 =	rddreg [dreg:$0x1];
	_ =	strace $0x8000004D;
	s10 =	smul.u32 $0x190, s8  }
.Ltmp0:
0x12: {  	s5 =	sadd.s32 $0x3E0C00, s9;
	[sflag:s6] =	ssyncpa.u1 $0x0;
	(pc) =	sbr.rel .LBB2_1-.Ltmp0, $4  }
0x13: {  	s4 =	sadd.s32 $0xD400, s9;
	p0 =	sne.s32 s7, s10;
	s10 =	simm.s32 $0x1  }
0x14: {  	s9 =	sadd.s32 $0x3E2600, s9;
	s7 =	simm.s32 $0x2;
	s10 =	simm.s32 @!p0 $0x0  }
0x15: {  	[sflag:s7] =	ssyncpa.u1 $0x0;
	p0 =	por $0x0, $0x0;
	s8 =	sadd.s32 s8, s10  }
0x16: {  	vm0 =	vmmov $0xff;
	vm1 =	vcmask $0x3F20;
	[sflag:s11] =	ssyncpa.u1 $0x0;
	s11 =	smov.u32 s1;
	s10 =	sadd.s32 $0x1, s8  }
.LBB2_6:
0x17: {  	[hbm:s17] =	stream.linear.scatter [tilespmem:s14], [sflag:$0x3], $0x400, $0x38;
	[tilespmem:$0x19320] =	vst v63  }
.LBB2_7:
0x18: {  	s13 =	sadd.s32 $0x190, s11  }
0x19: {  	s15 =	smov.u32 s1;
	p2 =	slt.s32 s13, s3  }
0x1a: {  	s15 =	smov.u32 @p2 s13;
	p2 =	sne.s32 s12, s10  }
.Ltmp1:
0x1b: {  	p1 =	slt.u32 s12, $0x2;
	(pc) =	sbr.rel @!p2 .LBB2_8-.Ltmp1, $4  }
0x1c: {  	s14 =	simm.s32 @!p1 $0x3  }
0x1d: {  	s16 =	sadd.s32 $0x1, s12;
	_ =	swait.ge @!p1 [sflag:s14], $0xC800  }
0x1e: {  	p0 =	por !p0, !p0;
	s13 =	smov.u32 s11;
	[sflag:s14] =	ssyncset.done @!p1 $0x0  }
0x1f: {  	s12 =	smov.u32 s16;
	s11 =	smov.u32 s15;
	[sflag:s14] =	ssyncadd.s32 @!p1 $0xFFFF3800  }
.LBB2_1:
0x20: {  	p1 =	sge.u32 s12, s8  }
0x21: {  	s14 =	sxor.u32 @!p1 $0xFFFFFFFF, s12  }
0x22: {  	s14 =	sand.u32 @!p1 $0x1, s14  }
0x23: {  	s14 =	smul.u32 @!p1 $0x640, s14  }
0x24: {  	s31 =	sadd.s32 $0xFFFFFFFF, s12;
	s15 =	sshrl.u32 @!p1 s11, $0x3  }
0x25: {  	s16 =	sand.u32 @!p1 $0x7, s11;
	s15 =	sadd.s32 @!p1 s5, s15;
	s14 =	sshrl.u32 @!p1 s14, $0x2  }
0x26: {  	[tilespmem:s14], [sflag:$0x2] =	stream.linear.gather @!p1 [hbm4b:s15+s16], $0x190, $0x38;
	[tilespmem:$0x19320] =	vst v63  }
0x27: {  	p1 =	sge.u32 s31, s8  }
.Ltmp2:
0x28: {  	_ = 	snop;
	(pc) =	sbr.rel @p1 .LBB2_7-.Ltmp2, $1  }
0x29: {  	_ =	sdelay $0x3  }
0x2a: {  	s14 =	simm.s32 $0x1  }
0x2b: {  	s14 =	simm.s32 @!p0 $0x0  }
0x2c: {  	s15 =	smul.u32 $0x640, s14  }
0x2d: {  	_ =	swait.ge [sflag:s7], $0x190  }
0x2e: {  	[sflag:s7] =	ssyncset.done $0x0;
	s16 =	sshrl.u32 s15, $0x2  }
0x2f: {  	[sflag:s7] =	ssyncadd.s32 $0xFFFFFE70;
	s15 =	sadd.s32 $0x0, s16  }
0x30: {  	v0 =	vld.msk [tilespmem:s15+$0x0 ss:$0x1], $0xffff;
	_ =	sdelay $0x4  }
0x31: {  	vm2 =	vgt.s32 v0, $0x0  }
0x32: {  	v0 =	vnsel vm2, $0x0, v0  }
0x33: {  	v0 =	vmin.u32 v0, $0x1869F  }
0x34: {  	v0 =	vshll.u32 v0, $0x4  }
0x35: {  	s14 =	smul.u32 $0x32000, s14;
	_ =	sdelay $0x1  }
0x36: {  	s14 =	sshrl.u32 s14, $0x2  }
0x37: {  	s14 =	sor.u32 $0x320, s14  }
0x38: {  	[tilespmem:s14], [sflag:$0x1] =	stream.indirect_vreg.gather [hbm:s4], $0x80, v0, vm0, $0x38;
	[tilespmem:$0x19320] =	vst v63  }
0x39: {  	s17 =	sadd.s32 $0x10, s16;
	s15 =	sadd.s32 $0x400, s14  }
0x3a: {  	[tilespmem:s15], [sflag:$0x1] =	stream.indirect_vreg.gather [hbm:s4], $0x80, v0, vm1, $0x38;
	[tilespmem:$0x19320] =	vst v63  }
0x3b: {  	s18 =	simm.s32 $0x80;
	v0 =	vld.msk [tilespmem:s17+$0x0 ss:$0x1], $0xffff;
	s17 =	smov.u32 s14  }
.LBB2_3:
0x3c: {  	p1 =	sne.s32 s18, $0x600;
	_ =	sdelay $0x4  }
0x3d: {  	vm2 =	vgt.s32 v0, $0x0  }
0x3e: {  	v0 =	vnsel vm2, $0x0, v0  }
0x3f: {  	v0 =	vmin.u32 v0, $0x1869F  }
0x40: {  	v0 =	vshll.u32 v0, $0x4;
	_ =	sdelay $0x3  }
.Ltmp3:
0x41: {  	s19 =	sshra.s32 s18, $0x2;
	s17 =	sadd.s32 $0x800, s17;
	(pc) =	sbr.rel @p1 .LBB2_3-.Ltmp3, $4  }
0x42: {  	[tilespmem:s17], [sflag:$0x1] =	stream.indirect_vreg.gather [hbm:s4], $0x80, v0, vm0, $0x38;
	[tilespmem:$0x19320] =	vst v63  }
0x43: {  	s19 =	sadd.s32 s19, s16;
	s20 =	sadd.s32 $0x400, s17  }
0x44: {  	[tilespmem:s20], [sflag:$0x1] =	stream.indirect_vreg.gather [hbm:s4], $0x80, v0, vm1, $0x38;
	[tilespmem:$0x19320] =	vst v63  }
0x45: {  	s18 =	sadd.s32 $0x40, s18;
	v0 =	vld.msk [tilespmem:s19+$0x0 ss:$0x1], $0xffff  }
0x46: {  	_ =	sdelay $0x3  }
0x47: {  	vm2 =	vgt.s32 v0, $0x0  }
0x48: {  	v0 =	vnsel vm2, $0x0, v0  }
0x49: {  	v0 =	vmin.u32 v0, $0x1869F  }
0x4a: {  	v0 =	vshll.u32 v0, $0x4;
	_ =	sdelay $0x3  }
0x4b: {  	s16 =	sadd.s32 $0x800, s17  }
0x4c: {  	[tilespmem:s16], [sflag:$0x1] =	stream.indirect_vreg.gather [hbm:s4], $0x80, v0, vm0, $0x38;
	[tilespmem:$0x19320] =	vst v63  }
0x4d: {  	s16 =	sadd.s32 $0x400, s16  }
0x4e: {  	[tilespmem:s16], [sflag:$0x1] =	stream.indirect_vreg.gather [hbm:s4], $0x80, v0, vm1, $0x38;
	[tilespmem:$0x19320] =	vst v63  }
0x4f: {  	s13 =	sshll.u32 s13, $0x4;
	_ =	swait.ge [sflag:s6], $0xC800  }
0x50: {  	s13 =	sadd.s32 s13, s9;
	[sflag:s6] =	ssyncset.done $0x0  }
0x51: {  	s17 =	sadd.s32 $0x0, s13;
	s16 =	simm.s32 $0x80;
	[sflag:s6] =	ssyncadd.s32 $0xFFFF3800  }
.LBB2_5:
0x52: {  	[hbm:s17] =	stream.linear.scatter [tilespmem:s14], [sflag:$0x3], $0x400, $0x38;
	[tilespmem:$0x19320] =	vst v63  }
0x53: {  	s17 =	smov.u32 s16;
	s14 =	smov.u32 s15;
	p1 =	sne.s32 s16, $0x1880  }
.Ltmp4:
0x54: {  	s16 =	sadd.s32 $0x80, s16;
	(pc) =	sbr.rel @p1 .LBB2_5-.Ltmp4, $2  }
0x55: {  	_ =	sdelay $0x2  }
0x56: {  	s15 =	sadd.s32 $0x400, s15;
	s17 =	sadd.s32 s17, s13  }
.Ltmp5:
0x57: {  	_ = 	snop;
	(pc) =	sbr.rel .LBB2_6-.Ltmp5, $1  }
0x58: {  	_ =	sdelay $0x3  }
.LBB2_8:
0x59: {  	_ =	sfence.sel $0x180000  }
0x5a: {  	s1 =	simm.s32 $0x2;
	[bflag:$0x0] =	sbarrier.arrive $0xFFFF  }
0x5b: {  	s30 =	simm.s32 $0x3;
	[sflag:s1] =	ssyncpa.u1 $0x1  }
0x5c: {  	s31 =	simm.s32 $0x1;
	[sflag:s30] =	ssyncpa.u1 $0x1  }
0x5d: {  	[sflag:s31] =	ssyncpa.u1 $0x1  }
0x5e: {  	p0 =	sne.s32 s0, $0x0;
	_ =	strace $0x9000004D  }
0x5f: {  	s0 =	sadd.s32 @!p0 $0x100000, s2;
	[bflag:$0x2] =	sbarrier.arrive $0xFFFF  }
0x60: {  	[sflag:s0] =	ssyncadd.tile.s32 @!p0 $0x1;
	_ =	shalt  }
.Lfunc_end2:
_tile_overlayer_lowered:
.L_overlay_start_2:
0x61: {  	(tag) =	ssettag $0x2  }
0x62: {  	s0 =	rddreg [dreg:$0x0];
	s2 =	stileid.u32  }
0x63: {  	s1 =	rddreg [dreg:$0x1];
	p0 =	sne.s32 s2, $0x0  }
0x64: {  	s3 =	rddreg [dreg:$0x2];
	[bflag:$0x3] =	sbarrier.arrive $0xFFFF;
	s2 =	simm.s32 @!p0 $0x1C01  }
0x65: {  	[timem:s3], [sflag:s2] =	dma.local @!p0 [hbm:s0], s1  }
0x66: {  	s0 =	simm.s32 @!p0 $0x1  }
0x67: {  	_ =	swait.ge @!p0 [sflag:s0], s1  }
0x68: {  	s1 =	ssub.s32 @!p0 $0x0, s1;
	[sflag:s0] =	ssyncset.done @!p0 $0x0  }
0x69: {  	[sflag:s0] =	ssyncadd.s32 @!p0 s1  }
0x6a: {  	[bflag:$0x3] =	sbarrier.arrive $0xFFFF  }
0x6b: {  	_ =	shalt  }

// kernel: gather_offload_async_start.2
scs
__scs_entry_jumppad:
0x0: {  	(pc) =	sbr.rel $0x88, $3  }
0x1: {  	(tag) =	ssettag $0x0;
	lr =	simm.s32 $0x1  }
0x2: {  	[smem:$0x3F7F] =	sst lr;
	_ =	strace $0xD0000000  }
0x3: {  	_ = 	snop  }
0x4: {  	_ = 	snop  }
0x5: {  	_ = 	snop  }
0x6: {  	_ = 	snop  }
0x7: {  	_ = 	snop  }
__scs_overlays_trampoline_lowered:
0x8: {  	[smem:$0x3F8E] =	sst s0  }
0x9: {  	[smem:$0x3F8F] =	sst s1  }
0xa: {  	[smem:$0x3F90] =	sst s2  }
0xb: {  	[smem:$0x3F91] =	sst s3  }
0xc: {  	[smem:$0x3F92] =	sst s4  }
0xd: {  	[smem:$0x3F93] =	sst s5  }
0xe: {  	[smem:$0x3F94] =	sst s6  }
0xf: {  	[smem:$0x3F95] =	sst s7  }
0x10: {  	[smem:$0x3F96] =	sst s8  }
0x11: {  	[smem:$0x3F97] =	sst s9;
	s0 =	simm.s32 @!p0 $0x0  }
0x12: {  	s1 =	sld [smem:$0x3F7D];
	s0 =	simm.s32 @p0 $0x1  }
0x13: {  	[smem:$0x3F98] =	sst s0;
	s0 =	simm.s32 @!p1 $0x0  }
0x14: {  	s2 =	sld [smem:$0x3F7C];
	s0 =	simm.s32 @p1 $0x1  }
0x15: {  	[smem:$0x3F99] =	sst s0;
	s0 =	simm.s32 @!p2 $0x0  }
0x16: {  	s3 =	sld [smem:$0x3FDB];
	s0 =	simm.s32 @p2 $0x1  }
0x17: {  	s4 =	simm.s32 $0x1BF5;
	[smem:$0x3F9B] =	sst s0  }
0x18: {  	s0 =	sld [smem:$0x3F7E];
	_ =	swait.ge [sflag:s4], $0x0  }
0x19: {  	s7 =	sld [smem:$0x3F7F]  }
0x1a: {  	s8 =	sadd.s32 $0xFFFFE003, lr  }
0x1b: {  	s9 =	sadd.s32 $0xFFFFFEF7, lr;
	s5 =	simm.s32 $0xFFFFFFFF;
	p2 =	slt.u32 s8, $0xFFFFF086  }
0x1c: {  	p1 =	slt.u32 s9, $0xF7A;
	s5 =	simm.s32 @!p2 $0x0  }
0x1d: {  	s5 =	simm.s32 @p1 $0x1;
	p0 =	seq.s32 s7, s2  }
0x1e: {  	s7 =	smul.u32 @!p0 $0xF7A, s2;
	p2 =	seq.s32 @!p0 s5, $0x0  }
0x1f: {  	s9 =	smul.u32 $0xF7A, s1;
	s8 =	simm.s32 @!p0 $0x1BF5;
	p2 =	por !p2, p0  }
0x20: {  	[sflag:s8] =	ssyncset.s32 @!p0 $0xFFFFF086;
	s6 =	sadd.s32 @!p0 s3, s7;
	s7 =	simm.s32 @!p0 $0x108  }
0x21: {  	s3 =	sadd.s32 s3, s9;
	s6 =	sadd.s32 @!p0 $0x88, s6;
	s7 =	simm.s32 @p2 $0x1082  }
0x22: {  	[simem:s7], [sflag:s8] =	dma.local @!p0 [hbm:s6], $0xF7A  }
0x23: {  	s9 =	sor.u32 $0xD0000000, s2;
	s6 =	simm.s32 $0x108;
	_ =	swait.ge @!p0 [sflag:s8], $0x0  }
0x24: {  	s3 =	sadd.s32 $0x88, s3;
	s6 =	simm.s32 @!p1 $0x1082;
	[sflag:s4] =	ssyncset.s32 $0xFFFFF086  }
0x25: {  	[simem:s6], [sflag:s4] =	dma.local [hbm:s3], $0xF7A  }
0x26: {  	[smem:$0x3F7F] =	sst s1;
	(tag) =	ssettag s2;
	_ =	strace s9  }
0x27: {  	s1 =	sld [smem:$0x3F8F]  }
0x28: {  	s2 =	sld [smem:$0x3F90]  }
0x29: {  	s4 =	sld [smem:$0x3F92]  }
0x2a: {  	p0 =	seq.s32 s5, $0x0;
	s5 =	sld [smem:$0x3F93]  }
0x2b: {  	s6 =	sld [smem:$0x3F94]  }
0x2c: {  	s7 =	sld [smem:$0x3F95]  }
0x2d: {  	s3 =	simm.s32 $0x108;
	s8 =	sld [smem:$0x3F96]  }
0x2e: {  	s3 =	simm.s32 @!p0 $0x1082;
	s9 =	sld [smem:$0x3F97]  }
0x2f: {  	lr =	sadd.s32 s0, s3;
	s0 =	sld [smem:$0x3F8E]  }
0x30: {  	s3 =	sld [smem:$0x3F91]  }
0x31: {  	[smem:$0x3F9A] =	sst s10  }
0x32: {  	s10 =	sld [smem:$0x3F98];
	_ =	sdelay $0x3  }
0x33: {  	p0 =	seq.s32 s10, $0x1;
	s10 =	sld [smem:$0x3F9A];
	_ =	sdelay $0x3  }
0x34: {  	[smem:$0x3F9A] =	sst s10  }
0x35: {  	s10 =	sld [smem:$0x3F99];
	_ =	sdelay $0x3  }
0x36: {  	p1 =	seq.s32 s10, $0x1;
	s10 =	sld [smem:$0x3F9A];
	_ =	sdelay $0x3  }
0x37: {  	[smem:$0x3F9A] =	sst s10  }
0x38: {  	s10 =	sld [smem:$0x3F9B]  }
0x39: {  	_ = 	snop;
	(pc) =	sbr.ind lr, $3  }
0x3a: {  	_ = 	snop  }
0x3b: {  	_ = 	snop  }
0x3c: {  	p2 =	seq.s32 s10, $0x1;
	s10 =	sld [smem:$0x3F9A]  }
0x3d: {  	_ =	shalt  }
0x3e: {  	_ =	shalt  }
0x3f: {  	_ =	shalt  }
0x40: {  	_ =	shalt  }
0x41: {  	_ =	shalt  }
0x42: {  	_ =	shalt  }
0x43: {  	_ =	shalt  }
0x44: {  	_ =	shalt  }
0x45: {  	_ =	shalt  }
0x46: {  	_ =	shalt  }
0x47: {  	_ =	shalt  }
0x48: {  	_ =	shalt  }
0x49: {  	_ =	shalt  }
0x4a: {  	_ =	shalt  }
0x4b: {  	_ =	shalt  }
0x4c: {  	_ =	shalt  }
0x4d: {  	_ =	shalt  }
0x4e: {  	_ =	shalt  }
0x4f: {  	_ =	shalt  }
0x50: {  	_ =	shalt  }
0x51: {  	_ =	shalt  }
0x52: {  	_ =	shalt  }
0x53: {  	_ =	shalt  }
0x54: {  	_ =	shalt  }
0x55: {  	_ =	shalt  }
0x56: {  	_ =	shalt  }
0x57: {  	_ =	shalt  }
0x58: {  	_ =	shalt  }
0x59: {  	_ =	shalt  }
0x5a: {  	_ =	shalt  }
0x5b: {  	_ =	shalt  }
0x5c: {  	_ =	shalt  }
0x5d: {  	_ =	shalt  }
0x5e: {  	_ =	shalt  }
0x5f: {  	_ =	shalt  }
0x60: {  	_ =	shalt  }
0x61: {  	_ =	shalt  }
0x62: {  	_ =	shalt  }
0x63: {  	_ =	shalt  }
0x64: {  	_ =	shalt  }
0x65: {  	_ =	shalt  }
0x66: {  	_ =	shalt  }
0x67: {  	_ =	shalt  }
0x68: {  	_ =	shalt  }
0x69: {  	_ =	shalt  }
0x6a: {  	_ =	shalt  }
0x6b: {  	_ =	shalt  }
0x6c: {  	_ =	shalt  }
0x6d: {  	_ =	shalt  }
0x6e: {  	_ =	shalt  }
0x6f: {  	_ =	shalt  }
0x70: {  	_ =	shalt  }
0x71: {  	_ =	shalt  }
0x72: {  	_ =	shalt  }
0x73: {  	_ =	shalt  }
0x74: {  	_ =	shalt  }
0x75: {  	_ =	shalt  }
0x76: {  	_ =	shalt  }
0x77: {  	_ =	shalt  }
0x78: {  	_ =	shalt  }
0x79: {  	_ =	shalt  }
0x7a: {  	_ =	shalt  }
0x7b: {  	_ =	shalt  }
0x7c: {  	_ =	shalt  }
0x7d: {  	_ =	shalt  }
0x7e: {  	_ =	shalt  }
0x7f: {  	_ =	shalt  }
0x80: {  	_ =	shalt  }
0x81: {  	_ =	shalt  }
0x82: {  	_ =	shalt  }
0x83: {  	_ =	shalt  }
0x84: {  	_ =	shalt  }
0x85: {  	_ =	shalt  }
0x86: {  	_ =	shalt  }
0x87: {  	_ =	shalt  }
.Lfunc_end0:
.L_simem_size_0:
called_computation.2_lowered:
.L_overlay_start_0:
0x88: {  	s0 =	sld [smem:$0x3FD9]  }
0x89: {  	s1 =	sld [smem:$0x3FFE];
	_ =	sdelay $0x3  }
0x8a: {  	s0 =	sadd.s32 s1, s0  }
0x8b: {  	[smem:$0x3FA6] =	sst s0  }
0x8c: {  	_ = 	snop  }
0x8d: {  	s0 =	sld [smem:$0x3FD0];
	_ =	sdelay $0x2  }
0x8e: {  	s13 =	simm.s32 $0xD;
	s2 =	simm.s32 $0x10  }
0x8f: {  	[smem:s2], [sflag:s13] =	dma.local [hbm:s0], $0x1  }
0x90: {  	_ =	swait.eq [sflag:s13], $0x1  }
0x91: {  	[sflag:s13] =	ssyncset.done $0x0  }
0x92: {  	[sflag:s13] =	ssyncadd.s32 $0xFFFFFFFF  }
0x93: {  	s14 =	sld [smem:$0x11];
	(tm) =	ssettm $0x1  }
0x94: {  	s15 =	sld [smem:$0x3FFB];
	_ =	sdelay $0x3  }
0x95: {  	_ =	strace s15  }
0x96: {  	s1 =	sld [smem:$0x3FFC];
	_ =	sdelay $0x3  }
0x97: {  	_ =	strace s1  }
0x98: {  	s1 =	sld [smem:$0x3FFD];
	_ =	sdelay $0x3  }
0x99: {  	_ =	strace s1  }
0x9a: {  	_ =	strace $0x8FFFFFFF  }
0x9b: {  	s16 =	sld [smem:$0x3FDB];
	_ =	sdelay $0x1  }
0x9c: {  	s17 =	simm.s32 $_scs_section_size  }
0x9d: {  	s3 =	simm.s32 $_size__tile_overlayer_lowered;
	s4 =	simm.s32 $_tile_overlayer_lowered  }
0x9e: {  	s20 =	simm.s32 $0x1BFF;
	s19 =	sshll.u32 s4, $0x1;
	s1 =	sadd.s32 s17, s16  }
0x9f: {  	s5 =	simm.s32 $0x0;
	s18 =	sshll.u32 s3, $0x1;
	s3 =	sadd.s32 s19, s1  }
0xa0: {  	[timem:s5], [sflag:s20] =	dma.local [hbm:s3], s18  }
0xa1: {  	_ =	swait.ge [sflag:s20], s18  }
0xa2: {  	s2 =	ssub.s32 $0x0, s18;
	[sflag:s20] =	ssyncset.done $0x0  }
0xa3: {  	[sflag:s20] =	ssyncadd.s32 s2;
	_ =	sdelay $0x1  }
0xa4: {  	s21 =	simm.s32 $0x1B8B  }
0xa5: {  	_ =	swait.ge [sflag:s21], $0x1  }
0xa6: {  	[sflag:s21] =	ssyncset.done $0x0  }
0xa7: {  	s23 =	simm.s32 $0x1B8E;
	s22 =	sld [smem:$0x3FFE];
	[sflag:s21] =	ssyncadd.s32 $0xFFFFFFFF  }
0xa8: {  	s24 =	simm.s32 $execute0_lowered;
	[smem:$0x3FD2] =	sst s23  }
0xa9: {  	s3 =	sshll.u32 s24, $0x1;
	_ =	strace $0x80000046;
	[dreg:$0x1] =	wrdreg $0xFFFFFFFF  }
0xaa: {  	s25 =	simm.s32 $_size_execute0_lowered;
	s1 =	sadd.s32 s1, s3;
	[dreg:$0x0] =	wrdreg $0x0  }
0xab: {  	s3 =	sshll.u32 s25, $0x1;
	[dreg:$0x2] =	wrdreg s1  }
0xac: {  	[dreg:$0x3] =	wrdreg s3  }
0xad: {  	[dreg:$0x4] =	wrdreg $0xC0  }
0xae: {  	_ =	task [dreg:s5], $0x5FFFF  }
0xaf: {  	[dreg:$0x1] =	wrdreg $0xFFFFFFFF  }
0xb0: {  	[dreg:$0x0] =	wrdreg $0x60  }
0xb1: {  	[dreg:$0x2] =	wrdreg s22  }
0xb2: {  	[dreg:$0x3] =	wrdreg s14  }
0xb3: {  	[dreg:$0x4] =	wrdreg $0xB  }
0xb4: {  	_ =	task.clear_ibuf [dreg:s5], $0x5FFFF;
	_ =	strace $0x90000046  }
0xb5: {  	s26 =	simm.s32 $0xB;
	_ =	strace $0x80000048  }
0xb6: {  	_ =	swait.ge [sflag:s26], $0x1  }
0xb7: {  	[sflag:s26] =	ssyncadd.s32 $0xFFFFFFFF  }
0xb8: {  	_ =	strace $0x90000048  }
0xb9: {  	_ =	sfence  }
0xba: {  	s28 =	sld [smem:$0x0];
	_ =	sdelay $0x1  }
0xbb: {  	s29 =	srdreg.scid  }
0xbc: {  	s30 =	sshll.u32 s29, $0xD;
	s31 =	sshrl.u32 s29, $0x2  }
0xbd: {  	s2 =	sand.u32 $0x4000, s30;
	s1 =	sand.u32 $0x1, s29;
	s0 =	sadd.s32 s31, s28  }
0xbe: {  	s1 =	sor.u32 s2, s1;
	s0 =	sshll.u32 s0, $0x11  }
0xbf: {  	s0 =	sor.u32 s0, s1  }
0xc0: {  	s0 =	sadd.s32 $0x8F2B, s0  }
0xc1: {  	[sflag:s0] =	ssyncadd.remote.s32 $0x1  }
0xc2: {  	_ =	sfence.sel $0xFFFF  }
0xc3: {  	[dreg:$0x0] =	wrdreg $0xFFFFFFFF;
	(pc) =	sbr.abs _section_cstart, $3  }
0xc4: {  	[dreg:$0x1] =	wrdreg $0xFFFFFFFF  }
0xc5: {  	_ =	task.clear_ibuf [dreg:s5], $0x2FFFF;
	_ =	strace $0x9FFFFFFF  }
0xc6: {  	(tm) =	ssettm $0x7FFFFFFF  }
0xc7: {  	_ =	shalt  }
tec
execute0_lowered:
.L_overlay_start_1:
0x0: {  	(tag) =	ssettag $0x1  }
0x1: {  	s0 =	stileid.u32  }
0x2: {  	s1 =	smul.u32 $0x7, s0  }
0x3: {  	s2 =	smin.u32 s0, $0xD  }
0x4: {  	s1 =	sadd.s32 s2, s1  }
0x5: {  	p0 =	slt.u32 s0, $0xD;
	s2 =	simm.s32 $0xC80;
	s1 =	smul.u32 $0x190, s1  }
0x6: {  	s2 =	simm.s32 @!p0 $0xAF0  }
0x7: {  	s2 =	sadd.s32 s2, s1  }
0x8: {  	s3 =	smin.u32 s2, $0xC350  }
0x9: {  	s7 =	ssub.s32 s3, s1  }
0xa: {  	p0 =	sgt.s32 s7, $0x0  }
0xb: {  	s7 =	simm.s32 @!p0 $0x0  }
0xc: {  	s31 =	sand.u32 $0xFFF0, s7  }
0xd: {  	s2 =	sshrl.u32 s31, $0x4  }
0xe: {  	s9 =	rddreg [dreg:$0x0];
	s2 =	smul.u32 $0xA3E, s2  }
0xf: {  	s4 =	rddreg [dreg:$0x1];
	s6 =	simm.s32 $0x1  }
0x10: {  	s11 =	simm.s32 $0x3;
	s13 =	simm.s32 $0x0;
	s8 =	sshrl.u32 s2, $0x10  }
0x11: {  	s12 =	simm.s32 $0x0;
	s5 =	sadd.s32 $0xD400, s9;
	s10 =	smul.u32 $0x190, s8  }
.Ltmp0:
0x12: {  	s9 =	sadd.s32 $0x258600, s9;
	s2 =	rddreg [dreg:$0x2];
	(pc) =	sbr.rel .LBB2_1-.Ltmp0, $4  }
0x13: {  	_ =	strace $0x80000047;
	p0 =	sne.s32 s7, s10;
	s10 =	simm.s32 $0x1  }
0x14: {  	[sflag:s6] =	ssyncpa.u1 $0x0;
	s7 =	simm.s32 $0x2;
	s10 =	simm.s32 @!p0 $0x0  }
0x15: {  	[sflag:s7] =	ssyncpa.u1 $0x0;
	p0 =	por $0x0, $0x0;
	s8 =	sadd.s32 s8, s10  }
0x16: {  	vm0 =	vmmov $0xff;
	vm1 =	vcmask $0x3F20;
	[sflag:s11] =	ssyncpa.u1 $0x0;
	s11 =	smov.u32 s1;
	s10 =	sadd.s32 $0x1, s8  }
.LBB2_6:
0x17: {  	[hbm:s17] =	stream.linear.scatter [tilespmem:s14], [sflag:$0x3], $0x400, $0x38;
	[tilespmem:$0x19320] =	vst v63  }
.LBB2_7:
0x18: {  	s13 =	sadd.s32 $0x190, s11  }
0x19: {  	s15 =	smov.u32 s1;
	p2 =	slt.s32 s13, s3  }
0x1a: {  	s15 =	smov.u32 @p2 s13;
	p2 =	sne.s32 s12, s10  }
.Ltmp1:
0x1b: {  	p1 =	slt.u32 s12, $0x2;
	(pc) =	sbr.rel @!p2 .LBB2_8-.Ltmp1, $4  }
0x1c: {  	s14 =	simm.s32 @!p1 $0x3  }
0x1d: {  	s16 =	sadd.s32 $0x1, s12;
	_ =	swait.ge @!p1 [sflag:s14], $0xC800  }
0x1e: {  	p0 =	por !p0, !p0;
	s13 =	smov.u32 s11;
	[sflag:s14] =	ssyncset.done @!p1 $0x0  }
0x1f: {  	s12 =	smov.u32 s16;
	s11 =	smov.u32 s15;
	[sflag:s14] =	ssyncadd.s32 @!p1 $0xFFFF3800  }
.LBB2_1:
0x20: {  	p1 =	sge.u32 s12, s8  }
0x21: {  	s14 =	sxor.u32 @!p1 $0xFFFFFFFF, s12  }
0x22: {  	s14 =	sand.u32 @!p1 $0x1, s14  }
0x23: {  	s14 =	smul.u32 @!p1 $0x640, s14  }
0x24: {  	s31 =	sadd.s32 $0xFFFFFFFF, s12;
	s15 =	sshrl.u32 @!p1 s11, $0x3  }
0x25: {  	s16 =	sand.u32 @!p1 $0x7, s11;
	s15 =	sadd.s32 @!p1 s4, s15;
	s14 =	sshrl.u32 @!p1 s14, $0x2  }
0x26: {  	[tilespmem:s14], [sflag:$0x2] =	stream.linear.gather @!p1 [hbm4b:s15+s16], $0x190, $0x38;
	[tilespmem:$0x19320] =	vst v63  }
0x27: {  	p1 =	sge.u32 s31, s8  }
.Ltmp2:
0x28: {  	_ = 	snop;
	(pc) =	sbr.rel @p1 .LBB2_7-.Ltmp2, $1  }
0x29: {  	_ =	sdelay $0x3  }
0x2a: {  	s14 =	simm.s32 $0x1  }
0x2b: {  	s14 =	simm.s32 @!p0 $0x0  }
0x2c: {  	s15 =	smul.u32 $0x640, s14  }
0x2d: {  	_ =	swait.ge [sflag:s7], $0x190  }
0x2e: {  	[sflag:s7] =	ssyncset.done $0x0;
	s16 =	sshrl.u32 s15, $0x2  }
0x2f: {  	[sflag:s7] =	ssyncadd.s32 $0xFFFFFE70;
	s15 =	sadd.s32 $0x0, s16  }
0x30: {  	v0 =	vld.msk [tilespmem:s15+$0x0 ss:$0x1], $0xffff;
	_ =	sdelay $0x4  }
0x31: {  	vm2 =	vgt.s32 v0, $0x0  }
0x32: {  	v0 =	vnsel vm2, $0x0, v0  }
0x33: {  	v0 =	vmin.u32 v0, $0x1869F  }
0x34: {  	v0 =	vshll.u32 v0, $0x4  }
0x35: {  	s14 =	smul.u32 $0x32000, s14;
	_ =	sdelay $0x1  }
0x36: {  	s14 =	sshrl.u32 s14, $0x2  }
0x37: {  	s14 =	sor.u32 $0x320, s14  }
0x38: {  	[tilespmem:s14], [sflag:$0x1] =	stream.indirect_vreg.gather [hbm:s5], $0x80, v0, vm0, $0x38;
	[tilespmem:$0x19320] =	vst v63  }
0x39: {  	s17 =	sadd.s32 $0x10, s16;
	s15 =	sadd.s32 $0x400, s14  }
0x3a: {  	[tilespmem:s15], [sflag:$0x1] =	stream.indirect_vreg.gather [hbm:s5], $0x80, v0, vm1, $0x38;
	[tilespmem:$0x19320] =	vst v63  }
0x3b: {  	s18 =	simm.s32 $0x80;
	v0 =	vld.msk [tilespmem:s17+$0x0 ss:$0x1], $0xffff;
	s17 =	smov.u32 s14  }
.LBB2_3:
0x3c: {  	p1 =	sne.s32 s18, $0x600;
	_ =	sdelay $0x4  }
0x3d: {  	vm2 =	vgt.s32 v0, $0x0  }
0x3e: {  	v0 =	vnsel vm2, $0x0, v0  }
0x3f: {  	v0 =	vmin.u32 v0, $0x1869F  }
0x40: {  	v0 =	vshll.u32 v0, $0x4;
	_ =	sdelay $0x3  }
.Ltmp3:
0x41: {  	s19 =	sshra.s32 s18, $0x2;
	s17 =	sadd.s32 $0x800, s17;
	(pc) =	sbr.rel @p1 .LBB2_3-.Ltmp3, $4  }
0x42: {  	[tilespmem:s17], [sflag:$0x1] =	stream.indirect_vreg.gather [hbm:s5], $0x80, v0, vm0, $0x38;
	[tilespmem:$0x19320] =	vst v63  }
0x43: {  	s19 =	sadd.s32 s19, s16;
	s20 =	sadd.s32 $0x400, s17  }
0x44: {  	[tilespmem:s20], [sflag:$0x1] =	stream.indirect_vreg.gather [hbm:s5], $0x80, v0, vm1, $0x38;
	[tilespmem:$0x19320] =	vst v63  }
0x45: {  	s18 =	sadd.s32 $0x40, s18;
	v0 =	vld.msk [tilespmem:s19+$0x0 ss:$0x1], $0xffff  }
0x46: {  	_ =	sdelay $0x3  }
0x47: {  	vm2 =	vgt.s32 v0, $0x0  }
0x48: {  	v0 =	vnsel vm2, $0x0, v0  }
0x49: {  	v0 =	vmin.u32 v0, $0x1869F  }
0x4a: {  	v0 =	vshll.u32 v0, $0x4;
	_ =	sdelay $0x3  }
0x4b: {  	s16 =	sadd.s32 $0x800, s17  }
0x4c: {  	[tilespmem:s16], [sflag:$0x1] =	stream.indirect_vreg.gather [hbm:s5], $0x80, v0, vm0, $0x38;
	[tilespmem:$0x19320] =	vst v63  }
0x4d: {  	s16 =	sadd.s32 $0x400, s16  }
0x4e: {  	[tilespmem:s16], [sflag:$0x1] =	stream.indirect_vreg.gather [hbm:s5], $0x80, v0, vm1, $0x38;
	[tilespmem:$0x19320] =	vst v63  }
0x4f: {  	s13 =	sshll.u32 s13, $0x4;
	_ =	swait.ge [sflag:s6], $0xC800  }
0x50: {  	s13 =	sadd.s32 s13, s9;
	[sflag:s6] =	ssyncset.done $0x0  }
0x51: {  	s17 =	sadd.s32 $0x0, s13;
	s16 =	simm.s32 $0x80;
	[sflag:s6] =	ssyncadd.s32 $0xFFFF3800  }
.LBB2_5:
0x52: {  	[hbm:s17] =	stream.linear.scatter [tilespmem:s14], [sflag:$0x3], $0x400, $0x38;
	[tilespmem:$0x19320] =	vst v63  }
0x53: {  	s17 =	smov.u32 s16;
	s14 =	smov.u32 s15;
	p1 =	sne.s32 s16, $0x1880  }
.Ltmp4:
0x54: {  	s16 =	sadd.s32 $0x80, s16;
	(pc) =	sbr.rel @p1 .LBB2_5-.Ltmp4, $2  }
0x55: {  	_ =	sdelay $0x2  }
0x56: {  	s15 =	sadd.s32 $0x400, s15;
	s17 =	sadd.s32 s17, s13  }
.Ltmp5:
0x57: {  	_ = 	snop;
	(pc) =	sbr.rel .LBB2_6-.Ltmp5, $1  }
0x58: {  	_ =	sdelay $0x3  }
.LBB2_8:
0x59: {  	_ =	sfence.sel $0x180000  }
0x5a: {  	s1 =	simm.s32 $0x2;
	[bflag:$0x0] =	sbarrier.arrive $0xFFFF  }
0x5b: {  	s30 =	simm.s32 $0x3;
	[sflag:s1] =	ssyncpa.u1 $0x1  }
0x5c: {  	s31 =	simm.s32 $0x1;
	[sflag:s30] =	ssyncpa.u1 $0x1  }
0x5d: {  	[sflag:s31] =	ssyncpa.u1 $0x1  }
0x5e: {  	p0 =	sne.s32 s0, $0x0;
	_ =	strace $0x90000047  }
0x5f: {  	s0 =	sadd.s32 @!p0 $0x100000, s2;
	[bflag:$0x2] =	sbarrier.arrive $0xFFFF  }
0x60: {  	[sflag:s0] =	ssyncadd.tile.s32 @!p0 $0x1;
	_ =	shalt  }
.Lfunc_end2:
_tile_overlayer_lowered:
.L_overlay_start_2:
0x61: {  	(tag) =	ssettag $0x2  }
0x62: {  	s0 =	rddreg [dreg:$0x0];
	s2 =	stileid.u32  }
0x63: {  	s1 =	rddreg [dreg:$0x1];
	p0 =	sne.s32 s2, $0x0  }
0x64: {  	s3 =	rddreg [dreg:$0x2];
	[bflag:$0x3] =	sbarrier.arrive $0xFFFF;
	s2 =	simm.s32 @!p0 $0x1C01  }
0x65: {  	[timem:s3], [sflag:s2] =	dma.local @!p0 [hbm:s0], s1  }
0x66: {  	s0 =	simm.s32 @!p0 $0x1  }
0x67: {  	_ =	swait.ge @!p0 [sflag:s0], s1  }
0x68: {  	s1 =	ssub.s32 @!p0 $0x0, s1;
	[sflag:s0] =	ssyncset.done @!p0 $0x0  }
0x69: {  	[sflag:s0] =	ssyncadd.s32 @!p0 s1  }
0x6a: {  	[bflag:$0x3] =	sbarrier.arrive $0xFFFF  }
0x6b: {  	_ =	shalt  }

// kernel: gather_offload_async_start.3
scs
__scs_entry_jumppad:
0x0: {  	(pc) =	sbr.rel $0x88, $3  }
0x1: {  	(tag) =	ssettag $0x0;
	lr =	simm.s32 $0x1  }
0x2: {  	[smem:$0x3F7F] =	sst lr;
	_ =	strace $0xD0000000  }
0x3: {  	_ = 	snop  }
0x4: {  	_ = 	snop  }
0x5: {  	_ = 	snop  }
0x6: {  	_ = 	snop  }
0x7: {  	_ = 	snop  }
__scs_overlays_trampoline_lowered:
0x8: {  	[smem:$0x3F8E] =	sst s0  }
0x9: {  	[smem:$0x3F8F] =	sst s1  }
0xa: {  	[smem:$0x3F90] =	sst s2  }
0xb: {  	[smem:$0x3F91] =	sst s3  }
0xc: {  	[smem:$0x3F92] =	sst s4  }
0xd: {  	[smem:$0x3F93] =	sst s5  }
0xe: {  	[smem:$0x3F94] =	sst s6  }
0xf: {  	[smem:$0x3F95] =	sst s7  }
0x10: {  	[smem:$0x3F96] =	sst s8  }
0x11: {  	[smem:$0x3F97] =	sst s9;
	s0 =	simm.s32 @!p0 $0x0  }
0x12: {  	s1 =	sld [smem:$0x3F7D];
	s0 =	simm.s32 @p0 $0x1  }
0x13: {  	[smem:$0x3F98] =	sst s0;
	s0 =	simm.s32 @!p1 $0x0  }
0x14: {  	s2 =	sld [smem:$0x3F7C];
	s0 =	simm.s32 @p1 $0x1  }
0x15: {  	[smem:$0x3F99] =	sst s0;
	s0 =	simm.s32 @!p2 $0x0  }
0x16: {  	s3 =	sld [smem:$0x3FDB];
	s0 =	simm.s32 @p2 $0x1  }
0x17: {  	s4 =	simm.s32 $0x1BF5;
	[smem:$0x3F9B] =	sst s0  }
0x18: {  	s0 =	sld [smem:$0x3F7E];
	_ =	swait.ge [sflag:s4], $0x0  }
0x19: {  	s7 =	sld [smem:$0x3F7F]  }
0x1a: {  	s8 =	sadd.s32 $0xFFFFE003, lr  }
0x1b: {  	s9 =	sadd.s32 $0xFFFFFEF7, lr;
	s5 =	simm.s32 $0xFFFFFFFF;
	p2 =	slt.u32 s8, $0xFFFFF086  }
0x1c: {  	p1 =	slt.u32 s9, $0xF7A;
	s5 =	simm.s32 @!p2 $0x0  }
0x1d: {  	s5 =	simm.s32 @p1 $0x1;
	p0 =	seq.s32 s7, s2  }
0x1e: {  	s7 =	smul.u32 @!p0 $0xF7A, s2;
	p2 =	seq.s32 @!p0 s5, $0x0  }
0x1f: {  	s9 =	smul.u32 $0xF7A, s1;
	s8 =	simm.s32 @!p0 $0x1BF5;
	p2 =	por !p2, p0  }
0x20: {  	[sflag:s8] =	ssyncset.s32 @!p0 $0xFFFFF086;
	s6 =	sadd.s32 @!p0 s3, s7;
	s7 =	simm.s32 @!p0 $0x108  }
0x21: {  	s3 =	sadd.s32 s3, s9;
	s6 =	sadd.s32 @!p0 $0x88, s6;
	s7 =	simm.s32 @p2 $0x1082  }
0x22: {  	[simem:s7], [sflag:s8] =	dma.local @!p0 [hbm:s6], $0xF7A  }
0x23: {  	s9 =	sor.u32 $0xD0000000, s2;
	s6 =	simm.s32 $0x108;
	_ =	swait.ge @!p0 [sflag:s8], $0x0  }
0x24: {  	s3 =	sadd.s32 $0x88, s3;
	s6 =	simm.s32 @!p1 $0x1082;
	[sflag:s4] =	ssyncset.s32 $0xFFFFF086  }
0x25: {  	[simem:s6], [sflag:s4] =	dma.local [hbm:s3], $0xF7A  }
0x26: {  	[smem:$0x3F7F] =	sst s1;
	(tag) =	ssettag s2;
	_ =	strace s9  }
0x27: {  	s1 =	sld [smem:$0x3F8F]  }
0x28: {  	s2 =	sld [smem:$0x3F90]  }
0x29: {  	s4 =	sld [smem:$0x3F92]  }
0x2a: {  	p0 =	seq.s32 s5, $0x0;
	s5 =	sld [smem:$0x3F93]  }
0x2b: {  	s6 =	sld [smem:$0x3F94]  }
0x2c: {  	s7 =	sld [smem:$0x3F95]  }
0x2d: {  	s3 =	simm.s32 $0x108;
	s8 =	sld [smem:$0x3F96]  }
0x2e: {  	s3 =	simm.s32 @!p0 $0x1082;
	s9 =	sld [smem:$0x3F97]  }
0x2f: {  	lr =	sadd.s32 s0, s3;
	s0 =	sld [smem:$0x3F8E]  }
0x30: {  	s3 =	sld [smem:$0x3F91]  }
0x31: {  	[smem:$0x3F9A] =	sst s10  }
0x32: {  	s10 =	sld [smem:$0x3F98];
	_ =	sdelay $0x3  }
0x33: {  	p0 =	seq.s32 s10, $0x1;
	s10 =	sld [smem:$0x3F9A];
	_ =	sdelay $0x3  }
0x34: {  	[smem:$0x3F9A] =	sst s10  }
0x35: {  	s10 =	sld [smem:$0x3F99];
	_ =	sdelay $0x3  }
0x36: {  	p1 =	seq.s32 s10, $0x1;
	s10 =	sld [smem:$0x3F9A];
	_ =	sdelay $0x3  }
0x37: {  	[smem:$0x3F9A] =	sst s10  }
0x38: {  	s10 =	sld [smem:$0x3F9B]  }
0x39: {  	_ = 	snop;
	(pc) =	sbr.ind lr, $3  }
0x3a: {  	_ = 	snop  }
0x3b: {  	_ = 	snop  }
0x3c: {  	p2 =	seq.s32 s10, $0x1;
	s10 =	sld [smem:$0x3F9A]  }
0x3d: {  	_ =	shalt  }
0x3e: {  	_ =	shalt  }
0x3f: {  	_ =	shalt  }
0x40: {  	_ =	shalt  }
0x41: {  	_ =	shalt  }
0x42: {  	_ =	shalt  }
0x43: {  	_ =	shalt  }
0x44: {  	_ =	shalt  }
0x45: {  	_ =	shalt  }
0x46: {  	_ =	shalt  }
0x47: {  	_ =	shalt  }
0x48: {  	_ =	shalt  }
0x49: {  	_ =	shalt  }
0x4a: {  	_ =	shalt  }
0x4b: {  	_ =	shalt  }
0x4c: {  	_ =	shalt  }
0x4d: {  	_ =	shalt  }
0x4e: {  	_ =	shalt  }
0x4f: {  	_ =	shalt  }
0x50: {  	_ =	shalt  }
0x51: {  	_ =	shalt  }
0x52: {  	_ =	shalt  }
0x53: {  	_ =	shalt  }
0x54: {  	_ =	shalt  }
0x55: {  	_ =	shalt  }
0x56: {  	_ =	shalt  }
0x57: {  	_ =	shalt  }
0x58: {  	_ =	shalt  }
0x59: {  	_ =	shalt  }
0x5a: {  	_ =	shalt  }
0x5b: {  	_ =	shalt  }
0x5c: {  	_ =	shalt  }
0x5d: {  	_ =	shalt  }
0x5e: {  	_ =	shalt  }
0x5f: {  	_ =	shalt  }
0x60: {  	_ =	shalt  }
0x61: {  	_ =	shalt  }
0x62: {  	_ =	shalt  }
0x63: {  	_ =	shalt  }
0x64: {  	_ =	shalt  }
0x65: {  	_ =	shalt  }
0x66: {  	_ =	shalt  }
0x67: {  	_ =	shalt  }
0x68: {  	_ =	shalt  }
0x69: {  	_ =	shalt  }
0x6a: {  	_ =	shalt  }
0x6b: {  	_ =	shalt  }
0x6c: {  	_ =	shalt  }
0x6d: {  	_ =	shalt  }
0x6e: {  	_ =	shalt  }
0x6f: {  	_ =	shalt  }
0x70: {  	_ =	shalt  }
0x71: {  	_ =	shalt  }
0x72: {  	_ =	shalt  }
0x73: {  	_ =	shalt  }
0x74: {  	_ =	shalt  }
0x75: {  	_ =	shalt  }
0x76: {  	_ =	shalt  }
0x77: {  	_ =	shalt  }
0x78: {  	_ =	shalt  }
0x79: {  	_ =	shalt  }
0x7a: {  	_ =	shalt  }
0x7b: {  	_ =	shalt  }
0x7c: {  	_ =	shalt  }
0x7d: {  	_ =	shalt  }
0x7e: {  	_ =	shalt  }
0x7f: {  	_ =	shalt  }
0x80: {  	_ =	shalt  }
0x81: {  	_ =	shalt  }
0x82: {  	_ =	shalt  }
0x83: {  	_ =	shalt  }
0x84: {  	_ =	shalt  }
0x85: {  	_ =	shalt  }
0x86: {  	_ =	shalt  }
0x87: {  	_ =	shalt  }
.Lfunc_end0:
.L_simem_size_0:
called_computation.3_lowered:
.L_overlay_start_0:
0x88: {  	s0 =	sld [smem:$0x3FD9]  }
0x89: {  	s1 =	sld [smem:$0x3FFE];
	_ =	sdelay $0x3  }
0x8a: {  	s0 =	sadd.s32 s1, s0  }
0x8b: {  	[smem:$0x3FA6] =	sst s0  }
0x8c: {  	_ = 	snop  }
0x8d: {  	(tm) =	ssettm $0x1  }
0x8e: {  	s15 =	sld [smem:$0x3FFB];
	_ =	sdelay $0x3  }
0x8f: {  	_ =	strace s15  }
0x90: {  	s0 =	sld [smem:$0x3FFC];
	_ =	sdelay $0x3  }
0x91: {  	_ =	strace s0  }
0x92: {  	s0 =	sld [smem:$0x3FFD];
	_ =	sdelay $0x3  }
0x93: {  	_ =	strace s0  }
0x94: {  	_ =	strace $0x8FFFFFFF  }
0x95: {  	s16 =	sld [smem:$0x3FDB];
	_ =	sdelay $0x1  }
0x96: {  	s17 =	simm.s32 $_scs_section_size  }
0x97: {  	s2 =	simm.s32 $_size__tile_overlayer_lowered;
	s3 =	simm.s32 $_tile_overlayer_lowered  }
0x98: {  	s20 =	simm.s32 $0x1BFF;
	s19 =	sshll.u32 s3, $0x1;
	s0 =	sadd.s32 s17, s16  }
0x99: {  	s4 =	simm.s32 $0x0;
	s18 =	sshll.u32 s2, $0x1;
	s2 =	sadd.s32 s19, s0  }
0x9a: {  	[timem:s4], [sflag:s20] =	dma.local [hbm:s2], s18  }
0x9b: {  	_ =	swait.ge [sflag:s20], s18  }
0x9c: {  	s1 =	ssub.s32 $0x0, s18;
	[sflag:s20] =	ssyncset.done $0x0  }
0x9d: {  	[sflag:s20] =	ssyncadd.s32 s1;
	_ =	sdelay $0x1  }
0x9e: {  	s21 =	simm.s32 $0x1B8B  }
0x9f: {  	_ =	swait.ge [sflag:s21], $0x1  }
0xa0: {  	[sflag:s21] =	ssyncset.done $0x0  }
0xa1: {  	s23 =	simm.s32 $0x1B8E;
	s22 =	sld [smem:$0x3FFE];
	[sflag:s21] =	ssyncadd.s32 $0xFFFFFFFF  }
0xa2: {  	s24 =	simm.s32 $execute0_lowered;
	[smem:$0x3FD2] =	sst s23  }
0xa3: {  	s2 =	sshll.u32 s24, $0x1;
	_ =	strace $0x80000049;
	[dreg:$0x1] =	wrdreg $0xFFFFFFFF  }
0xa4: {  	s25 =	simm.s32 $_size_execute0_lowered;
	s0 =	sadd.s32 s0, s2;
	[dreg:$0x0] =	wrdreg $0x0  }
0xa5: {  	s2 =	sshll.u32 s25, $0x1;
	[dreg:$0x2] =	wrdreg s0  }
0xa6: {  	[dreg:$0x3] =	wrdreg s2  }
0xa7: {  	[dreg:$0x4] =	wrdreg $0xC0  }
0xa8: {  	_ =	task [dreg:s4], $0x5FFFF  }
0xa9: {  	[dreg:$0x1] =	wrdreg $0xFFFFFFFF  }
0xaa: {  	[dreg:$0x0] =	wrdreg $0x60  }
0xab: {  	[dreg:$0x2] =	wrdreg s22  }
0xac: {  	[dreg:$0x3] =	wrdreg $0xC  }
0xad: {  	_ =	task.clear_ibuf [dreg:s4], $0x4FFFF;
	_ =	strace $0x90000049  }
0xae: {  	s26 =	simm.s32 $0xC;
	_ =	strace $0x8000004B  }
0xaf: {  	_ =	swait.ge [sflag:s26], $0x1  }
0xb0: {  	[sflag:s26] =	ssyncadd.s32 $0xFFFFFFFF  }
0xb1: {  	_ =	strace $0x9000004B  }
0xb2: {  	_ =	sfence  }
0xb3: {  	s28 =	sld [smem:$0x0];
	_ =	sdelay $0x1  }
0xb4: {  	s29 =	srdreg.scid  }
0xb5: {  	s30 =	sshll.u32 s29, $0xD;
	s31 =	sshrl.u32 s29, $0x2  }
0xb6: {  	s1 =	sand.u32 $0x1, s29;
	s2 =	sand.u32 $0x4000, s30;
	s0 =	sadd.s32 s31, s28  }
0xb7: {  	s1 =	sor.u32 s2, s1;
	s0 =	sshll.u32 s0, $0x11  }
0xb8: {  	s0 =	sor.u32 s0, s1  }
0xb9: {  	s0 =	sadd.s32 $0x8F2B, s0  }
0xba: {  	[sflag:s0] =	ssyncadd.remote.s32 $0x1  }
0xbb: {  	_ =	sfence.sel $0xFFFF  }
0xbc: {  	[dreg:$0x0] =	wrdreg $0xFFFFFFFF;
	(pc) =	sbr.abs _section_cstart, $3  }
0xbd: {  	[dreg:$0x1] =	wrdreg $0xFFFFFFFF  }
0xbe: {  	_ =	task.clear_ibuf [dreg:s4], $0x2FFFF;
	_ =	strace $0x9FFFFFFF  }
0xbf: {  	(tm) =	ssettm $0x7FFFFFFF  }
tec
execute0_lowered:
.L_overlay_start_1:
0x0: {  	(tag) =	ssettag $0x1  }
0x1: {  	s0 =	stileid.u32  }
0x2: {  	s1 =	smul.u32 $0x7, s0  }
0x3: {  	s2 =	smin.u32 s0, $0xD  }
0x4: {  	s1 =	sadd.s32 s2, s1  }
0x5: {  	p0 =	slt.u32 s0, $0xD;
	s2 =	simm.s32 $0xC80;
	s1 =	smul.u32 $0x190, s1  }
0x6: {  	s2 =	simm.s32 @!p0 $0xAF0  }
0x7: {  	s2 =	sadd.s32 s2, s1  }
0x8: {  	s3 =	smin.u32 s2, $0xC350  }
0x9: {  	s7 =	ssub.s32 s3, s1  }
0xa: {  	p0 =	sgt.s32 s7, $0x0  }
0xb: {  	s7 =	simm.s32 @!p0 $0x0  }
0xc: {  	s31 =	sand.u32 $0xFFF0, s7  }
0xd: {  	s2 =	sshrl.u32 s31, $0x4  }
0xe: {  	s4 =	smul.u32 $0xA3E, s2  }
0xf: {  	s9 =	rddreg [dreg:$0x0];
	s6 =	simm.s32 $0x1;
	s11 =	simm.s32 $0x3  }
0x10: {  	s13 =	simm.s32 $0x0;
	s12 =	simm.s32 $0x0;
	s8 =	sshrl.u32 s4, $0x10  }
0x11: {  	s2 =	rddreg [dreg:$0x1];
	_ =	strace $0x8000004A;
	s10 =	smul.u32 $0x190, s8  }
.Ltmp0:
0x12: {  	s5 =	sadd.s32 $0x31BC00, s9;
	[sflag:s6] =	ssyncpa.u1 $0x0;
	(pc) =	sbr.rel .LBB2_1-.Ltmp0, $4  }
0x13: {  	s4 =	sadd.s32 $0xD400, s9;
	p0 =	sne.s32 s7, s10;
	s10 =	simm.s32 $0x1  }
0x14: {  	s9 =	sadd.s32 $0x31D600, s9;
	s7 =	simm.s32 $0x2;
	s10 =	simm.s32 @!p0 $0x0  }
0x15: {  	[sflag:s7] =	ssyncpa.u1 $0x0;
	p0 =	por $0x0, $0x0;
	s8 =	sadd.s32 s8, s10  }
0x16: {  	vm0 =	vmmov $0xff;
	vm1 =	vcmask $0x3F20;
	[sflag:s11] =	ssyncpa.u1 $0x0;
	s11 =	smov.u32 s1;
	s10 =	sadd.s32 $0x1, s8  }
.LBB2_6:
0x17: {  	[hbm:s17] =	stream.linear.scatter [tilespmem:s14], [sflag:$0x3], $0x400, $0x38;
	[tilespmem:$0x19320] =	vst v63  }
.LBB2_7:
0x18: {  	s13 =	sadd.s32 $0x190, s11  }
0x19: {  	s15 =	smov.u32 s1;
	p2 =	slt.s32 s13, s3  }
0x1a: {  	s15 =	smov.u32 @p2 s13;
	p2 =	sne.s32 s12, s10  }
.Ltmp1:
0x1b: {  	p1 =	slt.u32 s12, $0x2;
	(pc) =	sbr.rel @!p2 .LBB2_8-.Ltmp1, $4  }
0x1c: {  	s14 =	simm.s32 @!p1 $0x3  }
0x1d: {  	s16 =	sadd.s32 $0x1, s12;
	_ =	swait.ge @!p1 [sflag:s14], $0xC800  }
0x1e: {  	p0 =	por !p0, !p0;
	s13 =	smov.u32 s11;
	[sflag:s14] =	ssyncset.done @!p1 $0x0  }
0x1f: {  	s12 =	smov.u32 s16;
	s11 =	smov.u32 s15;
	[sflag:s14] =	ssyncadd.s32 @!p1 $0xFFFF3800  }
.LBB2_1:
0x20: {  	p1 =	sge.u32 s12, s8  }
0x21: {  	s14 =	sxor.u32 @!p1 $0xFFFFFFFF, s12  }
0x22: {  	s14 =	sand.u32 @!p1 $0x1, s14  }
0x23: {  	s14 =	smul.u32 @!p1 $0x640, s14  }
0x24: {  	s31 =	sadd.s32 $0xFFFFFFFF, s12;
	s15 =	sshrl.u32 @!p1 s11, $0x3  }
0x25: {  	s16 =	sand.u32 @!p1 $0x7, s11;
	s15 =	sadd.s32 @!p1 s5, s15;
	s14 =	sshrl.u32 @!p1 s14, $0x2  }
0x26: {  	[tilespmem:s14], [sflag:$0x2] =	stream.linear.gather @!p1 [hbm4b:s15+s16], $0x190, $0x38;
	[tilespmem:$0x19320] =	vst v63  }
0x27: {  	p1 =	sge.u32 s31, s8  }
.Ltmp2:
0x28: {  	_ = 	snop;
	(pc) =	sbr.rel @p1 .LBB2_7-.Ltmp2, $1  }
0x29: {  	_ =	sdelay $0x3  }
0x2a: {  	s14 =	simm.s32 $0x1  }
0x2b: {  	s14 =	simm.s32 @!p0 $0x0  }
0x2c: {  	s15 =	smul.u32 $0x640, s14  }
0x2d: {  	_ =	swait.ge [sflag:s7], $0x190  }
0x2e: {  	[sflag:s7] =	ssyncset.done $0x0;
	s16 =	sshrl.u32 s15, $0x2  }
0x2f: {  	[sflag:s7] =	ssyncadd.s32 $0xFFFFFE70;
	s15 =	sadd.s32 $0x0, s16  }
0x30: {  	v0 =	vld.msk [tilespmem:s15+$0x0 ss:$0x1], $0xffff;
	_ =	sdelay $0x4  }
0x31: {  	vm2 =	vgt.s32 v0, $0x0  }
0x32: {  	v0 =	vnsel vm2, $0x0, v0  }
0x33: {  	v0 =	vmin.u32 v0, $0x1869F  }
0x34: {  	v0 =	vshll.u32 v0, $0x4  }
0x35: {  	s14 =	smul.u32 $0x32000, s14;
	_ =	sdelay $0x1  }
0x36: {  	s14 =	sshrl.u32 s14, $0x2  }
0x37: {  	s14 =	sor.u32 $0x320, s14  }
0x38: {  	[tilespmem:s14], [sflag:$0x1] =	stream.indirect_vreg.gather [hbm:s4], $0x80, v0, vm0, $0x38;
	[tilespmem:$0x19320] =	vst v63  }
0x39: {  	s17 =	sadd.s32 $0x10, s16;
	s15 =	sadd.s32 $0x400, s14  }
0x3a: {  	[tilespmem:s15], [sflag:$0x1] =	stream.indirect_vreg.gather [hbm:s4], $0x80, v0, vm1, $0x38;
	[tilespmem:$0x19320] =	vst v63  }
0x3b: {  	s18 =	simm.s32 $0x80;
	v0 =	vld.msk [tilespmem:s17+$0x0 ss:$0x1], $0xffff;
	s17 =	smov.u32 s14  }
.LBB2_3:
0x3c: {  	p1 =	sne.s32 s18, $0x600;
	_ =	sdelay $0x4  }
0x3d: {  	vm2 =	vgt.s32 v0, $0x0  }
0x3e: {  	v0 =	vnsel vm2, $0x0, v0  }
0x3f: {  	v0 =	vmin.u32 v0, $0x1869F  }
0x40: {  	v0 =	vshll.u32 v0, $0x4;
	_ =	sdelay $0x3  }
.Ltmp3:
0x41: {  	s19 =	sshra.s32 s18, $0x2;
	s17 =	sadd.s32 $0x800, s17;
	(pc) =	sbr.rel @p1 .LBB2_3-.Ltmp3, $4  }
0x42: {  	[tilespmem:s17], [sflag:$0x1] =	stream.indirect_vreg.gather [hbm:s4], $0x80, v0, vm0, $0x38;
	[tilespmem:$0x19320] =	vst v63  }
0x43: {  	s19 =	sadd.s32 s19, s16;
	s20 =	sadd.s32 $0x400, s17  }
0x44: {  	[tilespmem:s20], [sflag:$0x1] =	stream.indirect_vreg.gather [hbm:s4], $0x80, v0, vm1, $0x38;
	[tilespmem:$0x19320] =	vst v63  }
0x45: {  	s18 =	sadd.s32 $0x40, s18;
	v0 =	vld.msk [tilespmem:s19+$0x0 ss:$0x1], $0xffff  }
0x46: {  	_ =	sdelay $0x3  }
0x47: {  	vm2 =	vgt.s32 v0, $0x0  }
0x48: {  	v0 =	vnsel vm2, $0x0, v0  }
0x49: {  	v0 =	vmin.u32 v0, $0x1869F  }
0x4a: {  	v0 =	vshll.u32 v0, $0x4;
	_ =	sdelay $0x3  }
0x4b: {  	s16 =	sadd.s32 $0x800, s17  }
0x4c: {  	[tilespmem:s16], [sflag:$0x1] =	stream.indirect_vreg.gather [hbm:s4], $0x80, v0, vm0, $0x38;
	[tilespmem:$0x19320] =	vst v63  }
0x4d: {  	s16 =	sadd.s32 $0x400, s16  }
0x4e: {  	[tilespmem:s16], [sflag:$0x1] =	stream.indirect_vreg.gather [hbm:s4], $0x80, v0, vm1, $0x38;
	[tilespmem:$0x19320] =	vst v63  }
0x4f: {  	s13 =	sshll.u32 s13, $0x4;
	_ =	swait.ge [sflag:s6], $0xC800  }
0x50: {  	s13 =	sadd.s32 s13, s9;
	[sflag:s6] =	ssyncset.done $0x0  }
0x51: {  	s17 =	sadd.s32 $0x0, s13;
	s16 =	simm.s32 $0x80;
	[sflag:s6] =	ssyncadd.s32 $0xFFFF3800  }
.LBB2_5:
0x52: {  	[hbm:s17] =	stream.linear.scatter [tilespmem:s14], [sflag:$0x3], $0x400, $0x38;
	[tilespmem:$0x19320] =	vst v63  }
0x53: {  	s17 =	smov.u32 s16;
	s14 =	smov.u32 s15;
	p1 =	sne.s32 s16, $0x1880  }
.Ltmp4:
0x54: {  	s16 =	sadd.s32 $0x80, s16;
	(pc) =	sbr.rel @p1 .LBB2_5-.Ltmp4, $2  }
0x55: {  	_ =	sdelay $0x2  }
0x56: {  	s15 =	sadd.s32 $0x400, s15;
	s17 =	sadd.s32 s17, s13  }
.Ltmp5:
0x57: {  	_ = 	snop;
	(pc) =	sbr.rel .LBB2_6-.Ltmp5, $1  }
0x58: {  	_ =	sdelay $0x3  }
.LBB2_8:
0x59: {  	_ =	sfence.sel $0x180000  }
0x5a: {  	s1 =	simm.s32 $0x2;
	[bflag:$0x0] =	sbarrier.arrive $0xFFFF  }
0x5b: {  	s30 =	simm.s32 $0x3;
	[sflag:s1] =	ssyncpa.u1 $0x1  }
0x5c: {  	s31 =	simm.s32 $0x1;
	[sflag:s30] =	ssyncpa.u1 $0x1  }
0x5d: {  	[sflag:s31] =	ssyncpa.u1 $0x1  }
0x5e: {  	p0 =	sne.s32 s0, $0x0;
	_ =	strace $0x9000004A  }
0x5f: {  	s0 =	sadd.s32 @!p0 $0x100000, s2;
	[bflag:$0x2] =	sbarrier.arrive $0xFFFF  }
0x60: {  	[sflag:s0] =	ssyncadd.tile.s32 @!p0 $0x1;
	_ =	shalt  }
.Lfunc_end2:
_tile_overlayer_lowered:
.L_overlay_start_2:
0x61: {  	(tag) =	ssettag $0x2  }
0x62: {  	s0 =	rddreg [dreg:$0x0];
	s2 =	stileid.u32  }
0x63: {  	s1 =	rddreg [dreg:$0x1];
	p0 =	sne.s32 s2, $0x0  }
0x64: {  	s3 =	rddreg [dreg:$0x2];
	[bflag:$0x3] =	sbarrier.arrive $0xFFFF;
	s2 =	simm.s32 @!p0 $0x1C01  }
0x65: {  	[timem:s3], [sflag:s2] =	dma.local @!p0 [hbm:s0], s1  }
0x66: {  	s0 =	simm.s32 @!p0 $0x1  }
0x67: {  	_ =	swait.ge @!p0 [sflag:s0], s1  }
0x68: {  	s1 =	ssub.s32 @!p0 $0x0, s1;
	[sflag:s0] =	ssyncset.done @!p0 $0x0  }
0x69: {  	[sflag:s0] =	ssyncadd.s32 @!p0 s1  }
0x6a: {  	[bflag:$0x3] =	sbarrier.arrive $0xFFFF  }
0x6b: {  	_ =	shalt  }

// kernel: gather_offload_async_start
scs
__scs_entry_jumppad:
0x0: {  	(pc) =	sbr.rel $0x88, $3  }
0x1: {  	(tag) =	ssettag $0x0;
	lr =	simm.s32 $0x1  }
0x2: {  	[smem:$0x3F7F] =	sst lr;
	_ =	strace $0xD0000000  }
0x3: {  	_ = 	snop  }
0x4: {  	_ = 	snop  }
0x5: {  	_ = 	snop  }
0x6: {  	_ = 	snop  }
0x7: {  	_ = 	snop  }
__scs_overlays_trampoline_lowered:
0x8: {  	[smem:$0x3F8E] =	sst s0  }
0x9: {  	[smem:$0x3F8F] =	sst s1  }
0xa: {  	[smem:$0x3F90] =	sst s2  }
0xb: {  	[smem:$0x3F91] =	sst s3  }
0xc: {  	[smem:$0x3F92] =	sst s4  }
0xd: {  	[smem:$0x3F93] =	sst s5  }
0xe: {  	[smem:$0x3F94] =	sst s6  }
0xf: {  	[smem:$0x3F95] =	sst s7  }
0x10: {  	[smem:$0x3F96] =	sst s8  }
0x11: {  	[smem:$0x3F97] =	sst s9;
	s0 =	simm.s32 @!p0 $0x0  }
0x12: {  	s1 =	sld [smem:$0x3F7D];
	s0 =	simm.s32 @p0 $0x1  }
0x13: {  	[smem:$0x3F98] =	sst s0;
	s0 =	simm.s32 @!p1 $0x0  }
0x14: {  	s2 =	sld [smem:$0x3F7C];
	s0 =	simm.s32 @p1 $0x1  }
0x15: {  	[smem:$0x3F99] =	sst s0;
	s0 =	simm.s32 @!p2 $0x0  }
0x16: {  	s3 =	sld [smem:$0x3FDB];
	s0 =	simm.s32 @p2 $0x1  }
0x17: {  	s4 =	simm.s32 $0x1BF5;
	[smem:$0x3F9B] =	sst s0  }
0x18: {  	s0 =	sld [smem:$0x3F7E];
	_ =	swait.ge [sflag:s4], $0x0  }
0x19: {  	s7 =	sld [smem:$0x3F7F]  }
0x1a: {  	s8 =	sadd.s32 $0xFFFFE003, lr  }
0x1b: {  	s9 =	sadd.s32 $0xFFFFFEF7, lr;
	s5 =	simm.s32 $0xFFFFFFFF;
	p2 =	slt.u32 s8, $0xFFFFF086  }
0x1c: {  	p1 =	slt.u32 s9, $0xF7A;
	s5 =	simm.s32 @!p2 $0x0  }
0x1d: {  	s5 =	simm.s32 @p1 $0x1;
	p0 =	seq.s32 s7, s2  }
0x1e: {  	s7 =	smul.u32 @!p0 $0xF7A, s2;
	p2 =	seq.s32 @!p0 s5, $0x0  }
0x1f: {  	s9 =	smul.u32 $0xF7A, s1;
	s8 =	simm.s32 @!p0 $0x1BF5;
	p2 =	por !p2, p0  }
0x20: {  	[sflag:s8] =	ssyncset.s32 @!p0 $0xFFFFF086;
	s6 =	sadd.s32 @!p0 s3, s7;
	s7 =	simm.s32 @!p0 $0x108  }
0x21: {  	s3 =	sadd.s32 s3, s9;
	s6 =	sadd.s32 @!p0 $0x88, s6;
	s7 =	simm.s32 @p2 $0x1082  }
0x22: {  	[simem:s7], [sflag:s8] =	dma.local @!p0 [hbm:s6], $0xF7A  }
0x23: {  	s9 =	sor.u32 $0xD0000000, s2;
	s6 =	simm.s32 $0x108;
	_ =	swait.ge @!p0 [sflag:s8], $0x0  }
0x24: {  	s3 =	sadd.s32 $0x88, s3;
	s6 =	simm.s32 @!p1 $0x1082;
	[sflag:s4] =	ssyncset.s32 $0xFFFFF086  }
0x25: {  	[simem:s6], [sflag:s4] =	dma.local [hbm:s3], $0xF7A  }
0x26: {  	[smem:$0x3F7F] =	sst s1;
	(tag) =	ssettag s2;
	_ =	strace s9  }
0x27: {  	s1 =	sld [smem:$0x3F8F]  }
0x28: {  	s2 =	sld [smem:$0x3F90]  }
0x29: {  	s4 =	sld [smem:$0x3F92]  }
0x2a: {  	p0 =	seq.s32 s5, $0x0;
	s5 =	sld [smem:$0x3F93]  }
0x2b: {  	s6 =	sld [smem:$0x3F94]  }
0x2c: {  	s7 =	sld [smem:$0x3F95]  }
0x2d: {  	s3 =	simm.s32 $0x108;
	s8 =	sld [smem:$0x3F96]  }
0x2e: {  	s3 =	simm.s32 @!p0 $0x1082;
	s9 =	sld [smem:$0x3F97]  }
0x2f: {  	lr =	sadd.s32 s0, s3;
	s0 =	sld [smem:$0x3F8E]  }
0x30: {  	s3 =	sld [smem:$0x3F91]  }
0x31: {  	[smem:$0x3F9A] =	sst s10  }
0x32: {  	s10 =	sld [smem:$0x3F98];
	_ =	sdelay $0x3  }
0x33: {  	p0 =	seq.s32 s10, $0x1;
	s10 =	sld [smem:$0x3F9A];
	_ =	sdelay $0x3  }
0x34: {  	[smem:$0x3F9A] =	sst s10  }
0x35: {  	s10 =	sld [smem:$0x3F99];
	_ =	sdelay $0x3  }
0x36: {  	p1 =	seq.s32 s10, $0x1;
	s10 =	sld [smem:$0x3F9A];
	_ =	sdelay $0x3  }
0x37: {  	[smem:$0x3F9A] =	sst s10  }
0x38: {  	s10 =	sld [smem:$0x3F9B]  }
0x39: {  	_ = 	snop;
	(pc) =	sbr.ind lr, $3  }
0x3a: {  	_ = 	snop  }
0x3b: {  	_ = 	snop  }
0x3c: {  	p2 =	seq.s32 s10, $0x1;
	s10 =	sld [smem:$0x3F9A]  }
0x3d: {  	_ =	shalt  }
0x3e: {  	_ =	shalt  }
0x3f: {  	_ =	shalt  }
0x40: {  	_ =	shalt  }
0x41: {  	_ =	shalt  }
0x42: {  	_ =	shalt  }
0x43: {  	_ =	shalt  }
0x44: {  	_ =	shalt  }
0x45: {  	_ =	shalt  }
0x46: {  	_ =	shalt  }
0x47: {  	_ =	shalt  }
0x48: {  	_ =	shalt  }
0x49: {  	_ =	shalt  }
0x4a: {  	_ =	shalt  }
0x4b: {  	_ =	shalt  }
0x4c: {  	_ =	shalt  }
0x4d: {  	_ =	shalt  }
0x4e: {  	_ =	shalt  }
0x4f: {  	_ =	shalt  }
0x50: {  	_ =	shalt  }
0x51: {  	_ =	shalt  }
0x52: {  	_ =	shalt  }
0x53: {  	_ =	shalt  }
0x54: {  	_ =	shalt  }
0x55: {  	_ =	shalt  }
0x56: {  	_ =	shalt  }
0x57: {  	_ =	shalt  }
0x58: {  	_ =	shalt  }
0x59: {  	_ =	shalt  }
0x5a: {  	_ =	shalt  }
0x5b: {  	_ =	shalt  }
0x5c: {  	_ =	shalt  }
0x5d: {  	_ =	shalt  }
0x5e: {  	_ =	shalt  }
0x5f: {  	_ =	shalt  }
0x60: {  	_ =	shalt  }
0x61: {  	_ =	shalt  }
0x62: {  	_ =	shalt  }
0x63: {  	_ =	shalt  }
0x64: {  	_ =	shalt  }
0x65: {  	_ =	shalt  }
0x66: {  	_ =	shalt  }
0x67: {  	_ =	shalt  }
0x68: {  	_ =	shalt  }
0x69: {  	_ =	shalt  }
0x6a: {  	_ =	shalt  }
0x6b: {  	_ =	shalt  }
0x6c: {  	_ =	shalt  }
0x6d: {  	_ =	shalt  }
0x6e: {  	_ =	shalt  }
0x6f: {  	_ =	shalt  }
0x70: {  	_ =	shalt  }
0x71: {  	_ =	shalt  }
0x72: {  	_ =	shalt  }
0x73: {  	_ =	shalt  }
0x74: {  	_ =	shalt  }
0x75: {  	_ =	shalt  }
0x76: {  	_ =	shalt  }
0x77: {  	_ =	shalt  }
0x78: {  	_ =	shalt  }
0x79: {  	_ =	shalt  }
0x7a: {  	_ =	shalt  }
0x7b: {  	_ =	shalt  }
0x7c: {  	_ =	shalt  }
0x7d: {  	_ =	shalt  }
0x7e: {  	_ =	shalt  }
0x7f: {  	_ =	shalt  }
0x80: {  	_ =	shalt  }
0x81: {  	_ =	shalt  }
0x82: {  	_ =	shalt  }
0x83: {  	_ =	shalt  }
0x84: {  	_ =	shalt  }
0x85: {  	_ =	shalt  }
0x86: {  	_ =	shalt  }
0x87: {  	_ =	shalt  }
.Lfunc_end0:
.L_simem_size_0:
called_computation_lowered:
.L_overlay_start_0:
0x88: {  	s0 =	sld [smem:$0x3FD9]  }
0x89: {  	s1 =	sld [smem:$0x3FFE];
	_ =	sdelay $0x3  }
0x8a: {  	s0 =	sadd.s32 s1, s0  }
0x8b: {  	[smem:$0x3FA6] =	sst s0  }
0x8c: {  	_ = 	snop  }
0x8d: {  	s0 =	sld [smem:$0x3FD0];
	_ =	sdelay $0x2  }
0x8e: {  	s13 =	simm.s32 $0xD;
	s2 =	simm.s32 $0x10  }
0x8f: {  	[smem:s2], [sflag:s13] =	dma.local [hbm:s0], $0x1  }
0x90: {  	_ =	swait.eq [sflag:s13], $0x1  }
0x91: {  	[sflag:s13] =	ssyncset.done $0x0  }
0x92: {  	[sflag:s13] =	ssyncadd.s32 $0xFFFFFFFF  }
0x93: {  	s14 =	sld [smem:$0x10];
	(tm) =	ssettm $0x1  }
0x94: {  	s15 =	sld [smem:$0x3FFB];
	_ =	sdelay $0x3  }
0x95: {  	_ =	strace s15  }
0x96: {  	s1 =	sld [smem:$0x3FFC];
	_ =	sdelay $0x3  }
0x97: {  	_ =	strace s1  }
0x98: {  	s1 =	sld [smem:$0x3FFD];
	_ =	sdelay $0x3  }
0x99: {  	_ =	strace s1  }
0x9a: {  	_ =	strace $0x8FFFFFFF  }
0x9b: {  	s16 =	sld [smem:$0x3FDB];
	_ =	sdelay $0x1  }
0x9c: {  	s17 =	simm.s32 $_scs_section_size  }
0x9d: {  	s3 =	simm.s32 $_size__tile_overlayer_lowered;
	s4 =	simm.s32 $_tile_overlayer_lowered  }
0x9e: {  	s20 =	simm.s32 $0x1BFF;
	s19 =	sshll.u32 s4, $0x1;
	s1 =	sadd.s32 s17, s16  }
0x9f: {  	s5 =	simm.s32 $0x0;
	s18 =	sshll.u32 s3, $0x1;
	s3 =	sadd.s32 s19, s1  }
0xa0: {  	[timem:s5], [sflag:s20] =	dma.local [hbm:s3], s18  }
0xa1: {  	_ =	swait.ge [sflag:s20], s18  }
0xa2: {  	s2 =	ssub.s32 $0x0, s18;
	[sflag:s20] =	ssyncset.done $0x0  }
0xa3: {  	[sflag:s20] =	ssyncadd.s32 s2;
	_ =	sdelay $0x1  }
0xa4: {  	s21 =	simm.s32 $0x1B8B  }
0xa5: {  	_ =	swait.ge [sflag:s21], $0x1  }
0xa6: {  	[sflag:s21] =	ssyncset.done $0x0  }
0xa7: {  	s23 =	simm.s32 $0x1B8E;
	s22 =	sld [smem:$0x3FFE];
	[sflag:s21] =	ssyncadd.s32 $0xFFFFFFFF  }
0xa8: {  	s24 =	simm.s32 $execute0_lowered;
	[smem:$0x3FD2] =	sst s23  }
0xa9: {  	s3 =	sshll.u32 s24, $0x1;
	_ =	strace $0x8000004F;
	[dreg:$0x1] =	wrdreg $0xFFFFFFFF  }
0xaa: {  	s25 =	simm.s32 $_size_execute0_lowered;
	s1 =	sadd.s32 s1, s3;
	[dreg:$0x0] =	wrdreg $0x0  }
0xab: {  	s3 =	sshll.u32 s25, $0x1;
	[dreg:$0x2] =	wrdreg s1  }
0xac: {  	[dreg:$0x3] =	wrdreg s3  }
0xad: {  	[dreg:$0x4] =	wrdreg $0xC0  }
0xae: {  	_ =	task [dreg:s5], $0x5FFFF  }
0xaf: {  	[dreg:$0x1] =	wrdreg $0xFFFFFFFF  }
0xb0: {  	[dreg:$0x0] =	wrdreg $0x60  }
0xb1: {  	[dreg:$0x2] =	wrdreg s22  }
0xb2: {  	[dreg:$0x3] =	wrdreg s14  }
0xb3: {  	[dreg:$0x4] =	wrdreg $0x9  }
0xb4: {  	_ =	task.clear_ibuf [dreg:s5], $0x5FFFF;
	_ =	strace $0x9000004F  }
0xb5: {  	s26 =	simm.s32 $0x9;
	_ =	strace $0x80000051  }
0xb6: {  	_ =	swait.ge [sflag:s26], $0x1  }
0xb7: {  	[sflag:s26] =	ssyncadd.s32 $0xFFFFFFFF  }
0xb8: {  	_ =	strace $0x90000051  }
0xb9: {  	_ =	sfence  }
0xba: {  	s28 =	sld [smem:$0x0];
	_ =	sdelay $0x1  }
0xbb: {  	s29 =	srdreg.scid  }
0xbc: {  	s30 =	sshll.u32 s29, $0xD;
	s31 =	sshrl.u32 s29, $0x2  }
0xbd: {  	s2 =	sand.u32 $0x4000, s30;
	s1 =	sand.u32 $0x1, s29;
	s0 =	sadd.s32 s31, s28  }
0xbe: {  	s1 =	sor.u32 s2, s1;
	s0 =	sshll.u32 s0, $0x11  }
0xbf: {  	s0 =	sor.u32 s0, s1  }
0xc0: {  	s0 =	sadd.s32 $0x8F2B, s0  }
0xc1: {  	[sflag:s0] =	ssyncadd.remote.s32 $0x1  }
0xc2: {  	_ =	sfence.sel $0xFFFF  }
0xc3: {  	[dreg:$0x0] =	wrdreg $0xFFFFFFFF;
	(pc) =	sbr.abs _section_cstart, $3  }
0xc4: {  	[dreg:$0x1] =	wrdreg $0xFFFFFFFF  }
0xc5: {  	_ =	task.clear_ibuf [dreg:s5], $0x2FFFF;
	_ =	strace $0x9FFFFFFF  }
0xc6: {  	(tm) =	ssettm $0x7FFFFFFF  }
0xc7: {  	_ =	shalt  }
tec
execute0_lowered:
.L_overlay_start_1:
0x0: {  	(tag) =	ssettag $0x1  }
0x1: {  	s0 =	stileid.u32  }
0x2: {  	s1 =	smul.u32 $0x7, s0  }
0x3: {  	s2 =	smin.u32 s0, $0xD  }
0x4: {  	s1 =	sadd.s32 s2, s1  }
0x5: {  	p0 =	slt.u32 s0, $0xD;
	s2 =	simm.s32 $0xC80;
	s1 =	smul.u32 $0x190, s1  }
0x6: {  	s2 =	simm.s32 @!p0 $0xAF0  }
0x7: {  	s2 =	sadd.s32 s2, s1  }
0x8: {  	s3 =	smin.u32 s2, $0xC350  }
0x9: {  	s7 =	ssub.s32 s3, s1  }
0xa: {  	p0 =	sgt.s32 s7, $0x0  }
0xb: {  	s7 =	simm.s32 @!p0 $0x0  }
0xc: {  	s31 =	sand.u32 $0xFFF0, s7  }
0xd: {  	s2 =	sshrl.u32 s31, $0x4  }
0xe: {  	s9 =	rddreg [dreg:$0x0];
	s2 =	smul.u32 $0xA3E, s2  }
0xf: {  	s4 =	rddreg [dreg:$0x1];
	s6 =	simm.s32 $0x1  }
0x10: {  	s11 =	simm.s32 $0x3;
	s13 =	simm.s32 $0x0;
	s8 =	sshrl.u32 s2, $0x10  }
0x11: {  	s12 =	simm.s32 $0x0;
	s5 =	sadd.s32 $0xD400, s9;
	s10 =	smul.u32 $0x190, s8  }
.Ltmp0:
0x12: {  	s9 =	sadd.s32 $0x4A5C00, s9;
	s2 =	rddreg [dreg:$0x2];
	(pc) =	sbr.rel .LBB2_1-.Ltmp0, $4  }
0x13: {  	_ =	strace $0x80000050;
	p0 =	sne.s32 s7, s10;
	s10 =	simm.s32 $0x1  }
0x14: {  	[sflag:s6] =	ssyncpa.u1 $0x0;
	s7 =	simm.s32 $0x2;
	s10 =	simm.s32 @!p0 $0x0  }
0x15: {  	[sflag:s7] =	ssyncpa.u1 $0x0;
	p0 =	por $0x0, $0x0;
	s8 =	sadd.s32 s8, s10  }
0x16: {  	vm0 =	vmmov $0xff;
	vm1 =	vcmask $0x3F20;
	[sflag:s11] =	ssyncpa.u1 $0x0;
	s11 =	smov.u32 s1;
	s10 =	sadd.s32 $0x1, s8  }
.LBB2_6:
0x17: {  	[hbm:s17] =	stream.linear.scatter [tilespmem:s14], [sflag:$0x3], $0x400, $0x38;
	[tilespmem:$0x19320] =	vst v63  }
.LBB2_7:
0x18: {  	s13 =	sadd.s32 $0x190, s11  }
0x19: {  	s15 =	smov.u32 s1;
	p2 =	slt.s32 s13, s3  }
0x1a: {  	s15 =	smov.u32 @p2 s13;
	p2 =	sne.s32 s12, s10  }
.Ltmp1:
0x1b: {  	p1 =	slt.u32 s12, $0x2;
	(pc) =	sbr.rel @!p2 .LBB2_8-.Ltmp1, $4  }
0x1c: {  	s14 =	simm.s32 @!p1 $0x3  }
0x1d: {  	s16 =	sadd.s32 $0x1, s12;
	_ =	swait.ge @!p1 [sflag:s14], $0xC800  }
0x1e: {  	p0 =	por !p0, !p0;
	s13 =	smov.u32 s11;
	[sflag:s14] =	ssyncset.done @!p1 $0x0  }
0x1f: {  	s12 =	smov.u32 s16;
	s11 =	smov.u32 s15;
	[sflag:s14] =	ssyncadd.s32 @!p1 $0xFFFF3800  }
.LBB2_1:
0x20: {  	p1 =	sge.u32 s12, s8  }
0x21: {  	s14 =	sxor.u32 @!p1 $0xFFFFFFFF, s12  }
0x22: {  	s14 =	sand.u32 @!p1 $0x1, s14  }
0x23: {  	s14 =	smul.u32 @!p1 $0x640, s14  }
0x24: {  	s31 =	sadd.s32 $0xFFFFFFFF, s12;
	s15 =	sshrl.u32 @!p1 s11, $0x3  }
0x25: {  	s16 =	sand.u32 @!p1 $0x7, s11;
	s15 =	sadd.s32 @!p1 s4, s15;
	s14 =	sshrl.u32 @!p1 s14, $0x2  }
0x26: {  	[tilespmem:s14], [sflag:$0x2] =	stream.linear.gather @!p1 [hbm4b:s15+s16], $0x190, $0x38;
	[tilespmem:$0x19320] =	vst v63  }
0x27: {  	p1 =	sge.u32 s31, s8  }
.Ltmp2:
0x28: {  	_ = 	snop;
	(pc) =	sbr.rel @p1 .LBB2_7-.Ltmp2, $1  }
0x29: {  	_ =	sdelay $0x3  }
0x2a: {  	s14 =	simm.s32 $0x1  }
0x2b: {  	s14 =	simm.s32 @!p0 $0x0  }
0x2c: {  	s15 =	smul.u32 $0x640, s14  }
0x2d: {  	_ =	swait.ge [sflag:s7], $0x190  }
0x2e: {  	[sflag:s7] =	ssyncset.done $0x0;
	s16 =	sshrl.u32 s15, $0x2  }
0x2f: {  	[sflag:s7] =	ssyncadd.s32 $0xFFFFFE70;
	s15 =	sadd.s32 $0x0, s16  }
0x30: {  	v0 =	vld.msk [tilespmem:s15+$0x0 ss:$0x1], $0xffff;
	_ =	sdelay $0x4  }
0x31: {  	vm2 =	vgt.s32 v0, $0x0  }
0x32: {  	v0 =	vnsel vm2, $0x0, v0  }
0x33: {  	v0 =	vmin.u32 v0, $0x1869F  }
0x34: {  	v0 =	vshll.u32 v0, $0x4  }
0x35: {  	s14 =	smul.u32 $0x32000, s14;
	_ =	sdelay $0x1  }
0x36: {  	s14 =	sshrl.u32 s14, $0x2  }
0x37: {  	s14 =	sor.u32 $0x320, s14  }
0x38: {  	[tilespmem:s14], [sflag:$0x1] =	stream.indirect_vreg.gather [hbm:s5], $0x80, v0, vm0, $0x38;
	[tilespmem:$0x19320] =	vst v63  }
0x39: {  	s17 =	sadd.s32 $0x10, s16;
	s15 =	sadd.s32 $0x400, s14  }
0x3a: {  	[tilespmem:s15], [sflag:$0x1] =	stream.indirect_vreg.gather [hbm:s5], $0x80, v0, vm1, $0x38;
	[tilespmem:$0x19320] =	vst v63  }
0x3b: {  	s18 =	simm.s32 $0x80;
	v0 =	vld.msk [tilespmem:s17+$0x0 ss:$0x1], $0xffff;
	s17 =	smov.u32 s14  }
.LBB2_3:
0x3c: {  	p1 =	sne.s32 s18, $0x600;
	_ =	sdelay $0x4  }
0x3d: {  	vm2 =	vgt.s32 v0, $0x0  }
0x3e: {  	v0 =	vnsel vm2, $0x0, v0  }
0x3f: {  	v0 =	vmin.u32 v0, $0x1869F  }
0x40: {  	v0 =	vshll.u32 v0, $0x4;
	_ =	sdelay $0x3  }
.Ltmp3:
0x41: {  	s19 =	sshra.s32 s18, $0x2;
	s17 =	sadd.s32 $0x800, s17;
	(pc) =	sbr.rel @p1 .LBB2_3-.Ltmp3, $4  }
0x42: {  	[tilespmem:s17], [sflag:$0x1] =	stream.indirect_vreg.gather [hbm:s5], $0x80, v0, vm0, $0x38;
	[tilespmem:$0x19320] =	vst v63  }
0x43: {  	s19 =	sadd.s32 s19, s16;
	s20 =	sadd.s32 $0x400, s17  }
0x44: {  	[tilespmem:s20], [sflag:$0x1] =	stream.indirect_vreg.gather [hbm:s5], $0x80, v0, vm1, $0x38;
	[tilespmem:$0x19320] =	vst v63  }
0x45: {  	s18 =	sadd.s32 $0x40, s18;
	v0 =	vld.msk [tilespmem:s19+$0x0 ss:$0x1], $0xffff  }
0x46: {  	_ =	sdelay $0x3  }
0x47: {  	vm2 =	vgt.s32 v0, $0x0  }
0x48: {  	v0 =	vnsel vm2, $0x0, v0  }
0x49: {  	v0 =	vmin.u32 v0, $0x1869F  }
0x4a: {  	v0 =	vshll.u32 v0, $0x4;
	_ =	sdelay $0x3  }
0x4b: {  	s16 =	sadd.s32 $0x800, s17  }
0x4c: {  	[tilespmem:s16], [sflag:$0x1] =	stream.indirect_vreg.gather [hbm:s5], $0x80, v0, vm0, $0x38;
	[tilespmem:$0x19320] =	vst v63  }
0x4d: {  	s16 =	sadd.s32 $0x400, s16  }
0x4e: {  	[tilespmem:s16], [sflag:$0x1] =	stream.indirect_vreg.gather [hbm:s5], $0x80, v0, vm1, $0x38;
	[tilespmem:$0x19320] =	vst v63  }
0x4f: {  	s13 =	sshll.u32 s13, $0x4;
	_ =	swait.ge [sflag:s6], $0xC800  }
0x50: {  	s13 =	sadd.s32 s13, s9;
	[sflag:s6] =	ssyncset.done $0x0  }
0x51: {  	s17 =	sadd.s32 $0x0, s13;
	s16 =	simm.s32 $0x80;
	[sflag:s6] =	ssyncadd.s32 $0xFFFF3800  }
.LBB2_5:
0x52: {  	[hbm:s17] =	stream.linear.scatter [tilespmem:s14], [sflag:$0x3], $0x400, $0x38;
	[tilespmem:$0x19320] =	vst v63  }
0x53: {  	s17 =	smov.u32 s16;
	s14 =	smov.u32 s15;
	p1 =	sne.s32 s16, $0x1880  }
.Ltmp4:
0x54: {  	s16 =	sadd.s32 $0x80, s16;
	(pc) =	sbr.rel @p1 .LBB2_5-.Ltmp4, $2  }
0x55: {  	_ =	sdelay $0x2  }
0x56: {  	s15 =	sadd.s32 $0x400, s15;
	s17 =	sadd.s32 s17, s13  }
.Ltmp5:
0x57: {  	_ = 	snop;
	(pc) =	sbr.rel .LBB2_6-.Ltmp5, $1  }
0x58: {  	_ =	sdelay $0x3  }
.LBB2_8:
0x59: {  	_ =	sfence.sel $0x180000  }
0x5a: {  	s1 =	simm.s32 $0x2;
	[bflag:$0x0] =	sbarrier.arrive $0xFFFF  }
0x5b: {  	s30 =	simm.s32 $0x3;
	[sflag:s1] =	ssyncpa.u1 $0x1  }
0x5c: {  	s31 =	simm.s32 $0x1;
	[sflag:s30] =	ssyncpa.u1 $0x1  }
0x5d: {  	[sflag:s31] =	ssyncpa.u1 $0x1  }
0x5e: {  	p0 =	sne.s32 s0, $0x0;
	_ =	strace $0x90000050  }
0x5f: {  	s0 =	sadd.s32 @!p0 $0x100000, s2;
	[bflag:$0x2] =	sbarrier.arrive $0xFFFF  }
0x60: {  	[sflag:s0] =	ssyncadd.tile.s32 @!p0 $0x1;
	_ =	shalt  }
.Lfunc_end2:
_tile_overlayer_lowered:
.L_overlay_start_2:
0x61: {  	(tag) =	ssettag $0x2  }
0x62: {  	s0 =	rddreg [dreg:$0x0];
	s2 =	stileid.u32  }
0x63: {  	s1 =	rddreg [dreg:$0x1];
	p0 =	sne.s32 s2, $0x0  }
0x64: {  	s3 =	rddreg [dreg:$0x2];
	[bflag:$0x3] =	sbarrier.arrive $0xFFFF;
	s2 =	simm.s32 @!p0 $0x1C01  }
0x65: {  	[timem:s3], [sflag:s2] =	dma.local @!p0 [hbm:s0], s1  }
0x66: {  	s0 =	simm.s32 @!p0 $0x1  }
0x67: {  	_ =	swait.ge @!p0 [sflag:s0], s1  }
0x68: {  	s1 =	ssub.s32 @!p0 $0x0, s1;
	[sflag:s0] =	ssyncset.done @!p0 $0x0  }
0x69: {  	[sflag:s0] =	ssyncadd.s32 @!p0 s1  }
0x6a: {  	[bflag:$0x3] =	sbarrier.arrive $0xFFFF  }
0x6b: {  	_ =	shalt  }

</sc_bundles>
